<compile_context>
chip_gen: v7x
topology: tpu7x:2x2x1
jax: 0.10.2.dev20260603
libtpu: 0.0.44.dev20260713+nightly
codegen_flags: <defaults>
</compile_context>

<pallas_src>
import functools
import jax
import jax.numpy as jnp
from jax import lax
from jax.experimental import pallas as pl
from jax.experimental.pallas import tpu as pltpu
from jax.experimental.pallas import tpu_sc as plsc

NUM_CHARS = 256
EMB_DIM = 16
BATCH = 16384
MSG_LEN = 256
TOTAL = BATCH * MSG_LEN

NC = 2
NS = 16
NW = NC * NS
L = 16

CHUNK = 2048
IDX_PER_W = TOTAL // NW
STEPS = IDX_PER_W // CHUNK
NVEC = CHUNK // L
UNROLL = 4


def _sc_body(x_hbm, tabT_hbm, out_hbm,
             tab_v, idx_a, idx_b, rows_a, rows_b, sem_i, sem_oa, sem_ob):
    wid = lax.axis_index("s") * NC + lax.axis_index("c")
    base0 = wid * IDX_PER_W

    pltpu.sync_copy(tabT_hbm, tab_v)

    iota = jnp.arange(L, dtype=jnp.int32)
    jsp = [jnp.full((L,), j, dtype=jnp.int32) for j in range(EMB_DIM)]

    bufs = ((idx_a, rows_a, sem_oa), (idx_b, rows_b, sem_ob))

    def phase(i, parity):
        idx_v, rows_v, sem_o = bufs[parity]
        idx_n = bufs[1 - parity][0]
        base = base0 + i * CHUNK

        @pl.when(i == 0)
        def _():
            pltpu.sync_copy(x_hbm.at[pl.ds(base, CHUNK)], idx_v)

        @pl.when(i > 0)
        def _():
            pltpu.make_async_copy(
                x_hbm.at[pl.ds(base, CHUNK)], idx_v, sem_i).wait()

        @pl.when(i + 1 < STEPS)
        def _():
            pltpu.async_copy(
                x_hbm.at[pl.ds(base + CHUNK, CHUNK)], idx_n, sem_i)

        @pl.when(i >= 2)
        def _():
            pltpu.make_async_copy(
                rows_v, out_hbm.at[pl.ds(base, CHUNK)], sem_o).wait()

        def group(g):
            idx_vec = idx_v[pl.ds(g * L, L)]
            row_vec = g * L + iota
            for j in range(EMB_DIM):
                vals = plsc.load_gather(tab_v, [jsp[j], idx_vec])
                plsc.store_scatter(rows_v, [row_vec, jsp[j]], vals)

        @plsc.parallel_loop(0, NVEC, 1, unroll=UNROLL)
        def _(g):
            group(g)

        pltpu.async_copy(rows_v, out_hbm.at[pl.ds(base, CHUNK)], sem_o)

    def step(t, _):
        phase(2 * t, 0)
        phase(2 * t + 1, 1)
        return ()

    lax.fori_loop(0, STEPS // 2, step, ())

    last = base0 + (STEPS - 2) * CHUNK
    pltpu.make_async_copy(rows_a, out_hbm.at[pl.ds(last, CHUNK)], sem_oa).wait()
    pltpu.make_async_copy(
        rows_b, out_hbm.at[pl.ds(last + CHUNK, CHUNK)], sem_ob).wait()


@jax.jit
def _encode(x1d, tabT):
    mesh = plsc.VectorSubcoreMesh(core_axis_name="c", subcore_axis_name="s")
    run = pl.kernel(
        _sc_body,
        out_type=jax.ShapeDtypeStruct((TOTAL, EMB_DIM), jnp.float32),
        mesh=mesh,
        scratch_types=[
            pltpu.VMEM((EMB_DIM, NUM_CHARS), jnp.float32),
            pltpu.VMEM((CHUNK,), jnp.int32),
            pltpu.VMEM((CHUNK,), jnp.int32),
            pltpu.VMEM((CHUNK, EMB_DIM), jnp.float32),
            pltpu.VMEM((CHUNK, EMB_DIM), jnp.float32),
            pltpu.SemaphoreType.DMA,
            pltpu.SemaphoreType.DMA,
            pltpu.SemaphoreType.DMA,
        ],
        compiler_params=pltpu.CompilerParams(
            use_tc_tiling_on_sc=False, needs_layout_passes=False),
    )
    return run(x1d, tabT)


def kernel(x, emb_table):
    x1d = jnp.asarray(x, jnp.int32).reshape(TOTAL)
    tabT = emb_table.T.reshape(EMB_DIM, NUM_CHARS)
    y = _encode(x1d, tabT)
    return y.reshape(BATCH, MSG_LEN * EMB_DIM)

# --- scband reference (transcript-rebuilt; emitter-appended) ---
"""Pipeline reference for scband-msg-encoder-7310034338093 (READ-ONLY COPY).

The authoritative reference and input builder live on the scoring server;
editing this copy changes nothing except your own understanding.
"""

import jax, jax.numpy as jnp
import numpy as np

NUM_CHARS = 256
EMB_DIM = 16
BATCH = 16384
MSG_LEN = 256

def setup_inputs(seed: int = 0) -> dict:
    key = jax.random.key(seed)
    k1, k2 = jax.random.split(key)
    x = jax.random.randint(k1, (BATCH, MSG_LEN), 0, NUM_CHARS, dtype=jnp.int64 if jax.config.jax_enable_x64 else jnp.int32)
    emb_table = jax.random.normal(k2, (NUM_CHARS, EMB_DIM), dtype=jnp.float32)
    return {"x": x, "emb_table": emb_table}

def reference(x, emb_table):
    # nn.Embedding lookup: gather rows of the table by character id
    idx = x.astype(jnp.int32)
    y = jnp.take(emb_table, idx, axis=0)  # (B, 256, 16)
    # nn.Flatten(): flatten all dims after batch dim
    y = y.reshape(y.shape[0], -1)  # (B, 4096)
    return y

if __name__ == "__main__":
    import jax
    _d = setup_inputs()
    print(jax.jit(kernel)(*tuple(_d.values())))

</pallas_src>

<mosaic_0001>
#map = affine_map<(d0, d1) -> (0)>
#map1 = affine_map<(d0, d1) -> (0, 0)>
module attributes {stable_mosaic.version = 14 : i64} {
  func.func @_sc_body(%arg0: i32, %arg1: i32, %arg2: memref<4194304xi32, #tpu.memory_space<hbm>>, %arg3: memref<16x256xf32, #tpu.memory_space<hbm>>, %arg4: memref<4194304x16xf32, #tpu.memory_space<hbm>>, %arg5: memref<16x256xf32, #tpu.memory_space<vmem>>, %arg6: memref<2048xi32, #tpu.memory_space<vmem>>, %arg7: memref<2048xi32, #tpu.memory_space<vmem>>, %arg8: memref<2048x16xf32, #tpu.memory_space<vmem>>, %arg9: memref<2048x16xf32, #tpu.memory_space<vmem>>, %arg10: memref<!tpu.dma_semaphore, #tpu.memory_space<semaphore_mem>>, %arg11: memref<!tpu.dma_semaphore, #tpu.memory_space<semaphore_mem>>, %arg12: memref<!tpu.dma_semaphore, #tpu.memory_space<semaphore_mem>>) attributes {dimension_semantics = [#tpu.dimension_semantics<core_parallel>, #tpu.dimension_semantics<subcore_parallel>], iteration_bounds = array<i64: 2, 16>, scalar_prefetch = 0 : i64, scratch_operands = 8 : i64, tpu.core_type = #tpu.core_type<sc_vector_subcore>, window_params = [{transform_indices = #map}, {transform_indices = #map1}, {transform_indices = #map1}]} {
    %mul3A = arith.constant 2 : i32
    %mul3A_0 = arith.muli %arg1, %mul3A : i32
    %add3A = arith.addi %mul3A_0, %arg0 : i32
    %mul3A_1 = arith.constant 131072 : i32
    %mul3A_2 = arith.muli %add3A, %mul3A_1 : i32
    "tpu.region"() ({
      %run_scoped3A = tpu.sem_alloc : memref<!tpu.dma_semaphore, #tpu.memory_space<semaphore_mem>>
      tpu.enqueue_dma source(%arg3 : memref<16x256xf32, #tpu.memory_space<hbm>>) target(%arg5 : memref<16x256xf32, #tpu.memory_space<vmem>>) target_semaphore(%run_scoped3A : memref<!tpu.dma_semaphore, #tpu.memory_space<semaphore_mem>>)
      tpu.wait_dma2 semaphore(%run_scoped3A : memref<!tpu.dma_semaphore, #tpu.memory_space<semaphore_mem>>) src(%arg3 : memref<16x256xf32, #tpu.memory_space<hbm>>) dst(%arg5 : memref<16x256xf32, #tpu.memory_space<vmem>>)
      tpu.yield
    }) : () -> ()
    %iota3A = tpu.iota {dimensions = array<i32: 0>} : vector<16xi32>
    %broadcast_in_dim3A = arith.constant 0 : i32
    %broadcast_in_dim3A_3 = vector.broadcast %broadcast_in_dim3A : i32 to vector<16xi32>
    %broadcast_in_dim3A_4 = arith.constant 1 : i32
    %broadcast_in_dim3A_5 = vector.broadcast %broadcast_in_dim3A_4 : i32 to vector<16xi32>
    %broadcast_in_dim3A_6 = arith.constant 2 : i32
    %broadcast_in_dim3A_7 = vector.broadcast %broadcast_in_dim3A_6 : i32 to vector<16xi32>
    %broadcast_in_dim3A_8 = arith.constant 3 : i32
    %broadcast_in_dim3A_9 = vector.broadcast %broadcast_in_dim3A_8 : i32 to vector<16xi32>
    %broadcast_in_dim3A_10 = arith.constant 4 : i32
    %broadcast_in_dim3A_11 = vector.broadcast %broadcast_in_dim3A_10 : i32 to vector<16xi32>
    %broadcast_in_dim3A_12 = arith.constant 5 : i32
    %broadcast_in_dim3A_13 = vector.broadcast %broadcast_in_dim3A_12 : i32 to vector<16xi32>
    %broadcast_in_dim3A_14 = arith.constant 6 : i32
    %broadcast_in_dim3A_15 = vector.broadcast %broadcast_in_dim3A_14 : i32 to vector<16xi32>
    %broadcast_in_dim3A_16 = arith.constant 7 : i32
    %broadcast_in_dim3A_17 = vector.broadcast %broadcast_in_dim3A_16 : i32 to vector<16xi32>
    %broadcast_in_dim3A_18 = arith.constant 8 : i32
    %broadcast_in_dim3A_19 = vector.broadcast %broadcast_in_dim3A_18 : i32 to vector<16xi32>
    %broadcast_in_dim3A_20 = arith.constant 9 : i32
    %broadcast_in_dim3A_21 = vector.broadcast %broadcast_in_dim3A_20 : i32 to vector<16xi32>
    %broadcast_in_dim3A_22 = arith.constant 10 : i32
    %broadcast_in_dim3A_23 = vector.broadcast %broadcast_in_dim3A_22 : i32 to vector<16xi32>
    %broadcast_in_dim3A_24 = arith.constant 11 : i32
    %broadcast_in_dim3A_25 = vector.broadcast %broadcast_in_dim3A_24 : i32 to vector<16xi32>
    %broadcast_in_dim3A_26 = arith.constant 12 : i32
    %broadcast_in_dim3A_27 = vector.broadcast %broadcast_in_dim3A_26 : i32 to vector<16xi32>
    %broadcast_in_dim3A_28 = arith.constant 13 : i32
    %broadcast_in_dim3A_29 = vector.broadcast %broadcast_in_dim3A_28 : i32 to vector<16xi32>
    %broadcast_in_dim3A_30 = arith.constant 14 : i32
    %broadcast_in_dim3A_31 = vector.broadcast %broadcast_in_dim3A_30 : i32 to vector<16xi32>
    %broadcast_in_dim3A_32 = arith.constant 15 : i32
    %broadcast_in_dim3A_33 = vector.broadcast %broadcast_in_dim3A_32 : i32 to vector<16xi32>
    %scan3A = arith.constant 0 : i32
    %scan3A_34 = arith.constant 32 : i32
    %scan3A_35 = arith.addi %scan3A, %scan3A_34 : i32
    %scan3A_36 = arith.constant 1 : i32
    scf.for %scan3A_49 = %scan3A to %scan3A_35 step %scan3A_36  : i32 {
      %mul3A_50 = arith.constant 2 : i32
      %mul3A_51 = arith.muli %mul3A_50, %scan3A_49 : i32
      %mul3A_52 = arith.constant 2048 : i32
      %mul3A_53 = arith.muli %mul3A_51, %mul3A_52 : i32
      %add3A_54 = arith.addi %mul3A_2, %mul3A_53 : i32
      %eq3A = arith.constant 0 : i32
      %eq3A_55 = arith.cmpi eq, %mul3A_51, %eq3A : i32
      %convert_element_type3A = arith.extui %eq3A_55 : i1 to i32
      %cond3A = arith.constant 0 : i32
      %cond3A_56 = arith.cmpi ne, %convert_element_type3A, %cond3A : i32
      scf.if %cond3A_56 {
        "tpu.region"() ({
          %run_scoped3A = tpu.sem_alloc : memref<!tpu.dma_semaphore, #tpu.memory_space<semaphore_mem>>
          %dma_start3A_112 = tpu.memref_slice %arg2[%add3A_54] : memref<4194304xi32, #tpu.memory_space<hbm>> -> memref<2048xi32, #tpu.memory_space<hbm>>
          %dma_start3A_113 = tpu.memref_slice %arg2[%add3A_54] : memref<4194304xi32, #tpu.memory_space<hbm>> -> memref<2048xi32, #tpu.memory_space<hbm>>
          tpu.enqueue_dma source(%dma_start3A_113 : memref<2048xi32, #tpu.memory_space<hbm>>) target(%arg6 : memref<2048xi32, #tpu.memory_space<vmem>>) target_semaphore(%run_scoped3A : memref<!tpu.dma_semaphore, #tpu.memory_space<semaphore_mem>>)
          %dma_wait3A_114 = tpu.memref_slice %arg2[%add3A_54] : memref<4194304xi32, #tpu.memory_space<hbm>> -> memref<2048xi32, #tpu.memory_space<hbm>>
          %dma_wait3A_115 = tpu.memref_slice %arg2[%add3A_54] : memref<4194304xi32, #tpu.memory_space<hbm>> -> memref<2048xi32, #tpu.memory_space<hbm>>
          tpu.wait_dma2 semaphore(%run_scoped3A : memref<!tpu.dma_semaphore, #tpu.memory_space<semaphore_mem>>) src(%dma_wait3A_115 : memref<2048xi32, #tpu.memory_space<hbm>>) dst(%arg6 : memref<2048xi32, #tpu.memory_space<vmem>>)
          tpu.yield
        }) : () -> ()
      } else {
      }
      %gt3A = arith.constant 0 : i32
      %gt3A_57 = arith.cmpi sgt, %mul3A_51, %gt3A : i32
      %convert_element_type3A_58 = arith.extui %gt3A_57 : i1 to i32
      %cond3A_59 = arith.constant 0 : i32
      %cond3A_60 = arith.cmpi ne, %convert_element_type3A_58, %cond3A_59 : i32
      scf.if %cond3A_60 {
        %dma_wait3A_112 = tpu.memref_slice %arg2[%add3A_54] : memref<4194304xi32, #tpu.memory_space<hbm>> -> memref<2048xi32, #tpu.memory_space<hbm>>
        %dma_wait3A_113 = tpu.memref_slice %arg2[%add3A_54] : memref<4194304xi32, #tpu.memory_space<hbm>> -> memref<2048xi32, #tpu.memory_space<hbm>>
        tpu.wait_dma2 semaphore(%arg10 : memref<!tpu.dma_semaphore, #tpu.memory_space<semaphore_mem>>) src(%dma_wait3A_113 : memref<2048xi32, #tpu.memory_space<hbm>>) dst(%arg6 : memref<2048xi32, #tpu.memory_space<vmem>>)
      } else {
      }
      %add3A_61 = arith.constant 1 : i32
      %add3A_62 = arith.addi %mul3A_51, %add3A_61 : i32
      %lt3A = arith.constant 64 : i32
      %lt3A_63 = arith.cmpi slt, %add3A_62, %lt3A : i32
      %convert_element_type3A_64 = arith.extui %lt3A_63 : i1 to i32
      %cond3A_65 = arith.constant 0 : i32
      %cond3A_66 = arith.cmpi ne, %convert_element_type3A_64, %cond3A_65 : i32
      scf.if %cond3A_66 {
        %add3A_112 = arith.constant 2048 : i32
        %add3A_113 = arith.addi %add3A_54, %add3A_112 : i32
        %dma_start3A_114 = tpu.memref_slice %arg2[%add3A_113] : memref<4194304xi32, #tpu.memory_space<hbm>> -> memref<2048xi32, #tpu.memory_space<hbm>>
        %dma_start3A_115 = tpu.memref_slice %arg2[%add3A_113] : memref<4194304xi32, #tpu.memory_space<hbm>> -> memref<2048xi32, #tpu.memory_space<hbm>>
        tpu.enqueue_dma source(%dma_start3A_115 : memref<2048xi32, #tpu.memory_space<hbm>>) target(%arg7 : memref<2048xi32, #tpu.memory_space<vmem>>) target_semaphore(%arg10 : memref<!tpu.dma_semaphore, #tpu.memory_space<semaphore_mem>>)
      } else {
      }
      %ge3A = arith.constant 2 : i32
      %ge3A_67 = arith.cmpi sge, %mul3A_51, %ge3A : i32
      %convert_element_type3A_68 = arith.extui %ge3A_67 : i1 to i32
      %cond3A_69 = arith.constant 0 : i32
      %cond3A_70 = arith.cmpi ne, %convert_element_type3A_68, %cond3A_69 : i32
      scf.if %cond3A_70 {
        %dma_wait3A_112 = arith.constant 0 : i32
        %dma_wait3A_113 = tpu.memref_slice %arg4[%add3A_54, %dma_wait3A_112] : memref<4194304x16xf32, #tpu.memory_space<hbm>> -> memref<2048x16xf32, #tpu.memory_space<hbm>>
        %dma_wait3A_114 = arith.constant 0 : i32
        %dma_wait3A_115 = tpu.memref_slice %arg4[%add3A_54, %dma_wait3A_114] : memref<4194304x16xf32, #tpu.memory_space<hbm>> -> memref<2048x16xf32, #tpu.memory_space<hbm>>
        tpu.wait_dma2 semaphore(%arg11 : memref<!tpu.dma_semaphore, #tpu.memory_space<semaphore_mem>>) src(%arg8 : memref<2048x16xf32, #tpu.memory_space<vmem>>) dst(%dma_wait3A_115 : memref<2048x16xf32, #tpu.memory_space<hbm>>)
      } else {
      }
      %parallel_loop3A = arith.constant 0 : i32
      %parallel_loop3A_71 = arith.constant 128 : i32
      %parallel_loop3A_72 = arith.constant 1 : i32
      scf.for %parallel_loop3A_112 = %parallel_loop3A to %parallel_loop3A_71 step %parallel_loop3A_72  : i32 {
        %parallel_loop3A_113 = arith.constant 16 : i32
        %parallel_loop3A_114 = arith.muli %parallel_loop3A_112, %parallel_loop3A_113 : i32
        %parallel_loop3A_115 = arith.index_cast %parallel_loop3A_114 : i32 to index
        %parallel_loop3A_116 = tpu.vector_load %arg6[%parallel_loop3A_115] {strides = array<i32>} : memref<2048xi32, #tpu.memory_space<vmem>>, vector<16xi32>,
        %parallel_loop3A_117 = arith.constant 16 : i32
        %parallel_loop3A_118 = arith.muli %parallel_loop3A_112, %parallel_loop3A_117 : i32
        %parallel_loop3A_119 = vector.broadcast %parallel_loop3A_118 : i32 to vector<16xi32>
        %parallel_loop3A_120 = arith.addi %parallel_loop3A_119, %iota3A : vector<16xi32>
        %parallel_loop3A_121 = tpu.vector_load_idx %arg5[%broadcast_in_dim3A_3, %parallel_loop3A_116] : memref<16x256xf32, #tpu.memory_space<vmem>>[vector<16xi32>, vector<16xi32>], vector<16xf32>,
        tpu.vector_store_idx %arg8[%parallel_loop3A_120, %broadcast_in_dim3A_3], %parallel_loop3A_121 : memref<2048x16xf32, #tpu.memory_space<vmem>>[vector<16xi32>, vector<16xi32>], vector<16xf32>,
        %parallel_loop3A_122 = tpu.vector_load_idx %arg5[%broadcast_in_dim3A_5, %parallel_loop3A_116] : memref<16x256xf32, #tpu.memory_space<vmem>>[vector<16xi32>, vector<16xi32>], vector<16xf32>,
        tpu.vector_store_idx %arg8[%parallel_loop3A_120, %broadcast_in_dim3A_5], %parallel_loop3A_122 : memref<2048x16xf32, #tpu.memory_space<vmem>>[vector<16xi32>, vector<16xi32>], vector<16xf32>,
        %parallel_loop3A_123 = tpu.vector_load_idx %arg5[%broadcast_in_dim3A_7, %parallel_loop3A_116] : memref<16x256xf32, #tpu.memory_space<vmem>>[vector<16xi32>, vector<16xi32>], vector<16xf32>,
        tpu.vector_store_idx %arg8[%parallel_loop3A_120, %broadcast_in_dim3A_7], %parallel_loop3A_123 : memref<2048x16xf32, #tpu.memory_space<vmem>>[vector<16xi32>, vector<16xi32>], vector<16xf32>,
        %parallel_loop3A_124 = tpu.vector_load_idx %arg5[%broadcast_in_dim3A_9, %parallel_loop3A_116] : memref<16x256xf32, #tpu.memory_space<vmem>>[vector<16xi32>, vector<16xi32>], vector<16xf32>,
        tpu.vector_store_idx %arg8[%parallel_loop3A_120, %broadcast_in_dim3A_9], %parallel_loop3A_124 : memref<2048x16xf32, #tpu.memory_space<vmem>>[vector<16xi32>, vector<16xi32>], vector<16xf32>,
        %parallel_loop3A_125 = tpu.vector_load_idx %arg5[%broadcast_in_dim3A_11, %parallel_loop3A_116] : memref<16x256xf32, #tpu.memory_space<vmem>>[vector<16xi32>, vector<16xi32>], vector<16xf32>,
        tpu.vector_store_idx %arg8[%parallel_loop3A_120, %broadcast_in_dim3A_11], %parallel_loop3A_125 : memref<2048x16xf32, #tpu.memory_space<vmem>>[vector<16xi32>, vector<16xi32>], vector<16xf32>,
        %parallel_loop3A_126 = tpu.vector_load_idx %arg5[%broadcast_in_dim3A_13, %parallel_loop3A_116] : memref<16x256xf32, #tpu.memory_space<vmem>>[vector<16xi32>, vector<16xi32>], vector<16xf32>,
        tpu.vector_store_idx %arg8[%parallel_loop3A_120, %broadcast_in_dim3A_13], %parallel_loop3A_126 : memref<2048x16xf32, #tpu.memory_space<vmem>>[vector<16xi32>, vector<16xi32>], vector<16xf32>,
        %parallel_loop3A_127 = tpu.vector_load_idx %arg5[%broadcast_in_dim3A_15, %parallel_loop3A_116] : memref<16x256xf32, #tpu.memory_space<vmem>>[vector<16xi32>, vector<16xi32>], vector<16xf32>,
        tpu.vector_store_idx %arg8[%parallel_loop3A_120, %broadcast_in_dim3A_15], %parallel_loop3A_127 : memref<2048x16xf32, #tpu.memory_space<vmem>>[vector<16xi32>, vector<16xi32>], vector<16xf32>,
        %parallel_loop3A_128 = tpu.vector_load_idx %arg5[%broadcast_in_dim3A_17, %parallel_loop3A_116] : memref<16x256xf32, #tpu.memory_space<vmem>>[vector<16xi32>, vector<16xi32>], vector<16xf32>,
        tpu.vector_store_idx %arg8[%parallel_loop3A_120, %broadcast_in_dim3A_17], %parallel_loop3A_128 : memref<2048x16xf32, #tpu.memory_space<vmem>>[vector<16xi32>, vector<16xi32>], vector<16xf32>,
        %parallel_loop3A_129 = tpu.vector_load_idx %arg5[%broadcast_in_dim3A_19, %parallel_loop3A_116] : memref<16x256xf32, #tpu.memory_space<vmem>>[vector<16xi32>, vector<16xi32>], vector<16xf32>,
        tpu.vector_store_idx %arg8[%parallel_loop3A_120, %broadcast_in_dim3A_19], %parallel_loop3A_129 : memref<2048x16xf32, #tpu.memory_space<vmem>>[vector<16xi32>, vector<16xi32>], vector<16xf32>,
        %parallel_loop3A_130 = tpu.vector_load_idx %arg5[%broadcast_in_dim3A_21, %parallel_loop3A_116] : memref<16x256xf32, #tpu.memory_space<vmem>>[vector<16xi32>, vector<16xi32>], vector<16xf32>,
        tpu.vector_store_idx %arg8[%parallel_loop3A_120, %broadcast_in_dim3A_21], %parallel_loop3A_130 : memref<2048x16xf32, #tpu.memory_space<vmem>>[vector<16xi32>, vector<16xi32>], vector<16xf32>,
        %parallel_loop3A_131 = tpu.vector_load_idx %arg5[%broadcast_in_dim3A_23, %parallel_loop3A_116] : memref<16x256xf32, #tpu.memory_space<vmem>>[vector<16xi32>, vector<16xi32>], vector<16xf32>,
        tpu.vector_store_idx %arg8[%parallel_loop3A_120, %broadcast_in_dim3A_23], %parallel_loop3A_131 : memref<2048x16xf32, #tpu.memory_space<vmem>>[vector<16xi32>, vector<16xi32>], vector<16xf32>,
        %parallel_loop3A_132 = tpu.vector_load_idx %arg5[%broadcast_in_dim3A_25, %parallel_loop3A_116] : memref<16x256xf32, #tpu.memory_space<vmem>>[vector<16xi32>, vector<16xi32>], vector<16xf32>,
        tpu.vector_store_idx %arg8[%parallel_loop3A_120, %broadcast_in_dim3A_25], %parallel_loop3A_132 : memref<2048x16xf32, #tpu.memory_space<vmem>>[vector<16xi32>, vector<16xi32>], vector<16xf32>,
        %parallel_loop3A_133 = tpu.vector_load_idx %arg5[%broadcast_in_dim3A_27, %parallel_loop3A_116] : memref<16x256xf32, #tpu.memory_space<vmem>>[vector<16xi32>, vector<16xi32>], vector<16xf32>,
        tpu.vector_store_idx %arg8[%parallel_loop3A_120, %broadcast_in_dim3A_27], %parallel_loop3A_133 : memref<2048x16xf32, #tpu.memory_space<vmem>>[vector<16xi32>, vector<16xi32>], vector<16xf32>,
        %parallel_loop3A_134 = tpu.vector_load_idx %arg5[%broadcast_in_dim3A_29, %parallel_loop3A_116] : memref<16x256xf32, #tpu.memory_space<vmem>>[vector<16xi32>, vector<16xi32>], vector<16xf32>,
        tpu.vector_store_idx %arg8[%parallel_loop3A_120, %broadcast_in_dim3A_29], %parallel_loop3A_134 : memref<2048x16xf32, #tpu.memory_space<vmem>>[vector<16xi32>, vector<16xi32>], vector<16xf32>,
        %parallel_loop3A_135 = tpu.vector_load_idx %arg5[%broadcast_in_dim3A_31, %parallel_loop3A_116] : memref<16x256xf32, #tpu.memory_space<vmem>>[vector<16xi32>, vector<16xi32>], vector<16xf32>,
        tpu.vector_store_idx %arg8[%parallel_loop3A_120, %broadcast_in_dim3A_31], %parallel_loop3A_135 : memref<2048x16xf32, #tpu.memory_space<vmem>>[vector<16xi32>, vector<16xi32>], vector<16xf32>,
        %parallel_loop3A_136 = tpu.vector_load_idx %arg5[%broadcast_in_dim3A_33, %parallel_loop3A_116] : memref<16x256xf32, #tpu.memory_space<vmem>>[vector<16xi32>, vector<16xi32>], vector<16xf32>,
        tpu.vector_store_idx %arg8[%parallel_loop3A_120, %broadcast_in_dim3A_33], %parallel_loop3A_136 : memref<2048x16xf32, #tpu.memory_space<vmem>>[vector<16xi32>, vector<16xi32>], vector<16xf32>,
      } {sc.loop_unroll_factor = 4 : i64, sc.parallel_access}
      %dma_start3A = arith.constant 0 : i32
      %dma_start3A_73 = tpu.memref_slice %arg4[%add3A_54, %dma_start3A] : memref<4194304x16xf32, #tpu.memory_space<hbm>> -> memref<2048x16xf32, #tpu.memory_space<hbm>>
      %dma_start3A_74 = arith.constant 0 : i32
      %dma_start3A_75 = tpu.memref_slice %arg4[%add3A_54, %dma_start3A_74] : memref<4194304x16xf32, #tpu.memory_space<hbm>> -> memref<2048x16xf32, #tpu.memory_space<hbm>>
      tpu.enqueue_dma source(%arg8 : memref<2048x16xf32, #tpu.memory_space<vmem>>) target(%dma_start3A_75 : memref<2048x16xf32, #tpu.memory_space<hbm>>) target_semaphore(%arg11 : memref<!tpu.dma_semaphore, #tpu.memory_space<semaphore_mem>>)
      %mul3A_76 = arith.constant 2 : i32
      %mul3A_77 = arith.muli %mul3A_76, %scan3A_49 : i32
      %add3A_78 = arith.constant 1 : i32
      %add3A_79 = arith.addi %mul3A_77, %add3A_78 : i32
      %mul3A_80 = arith.constant 2048 : i32
      %mul3A_81 = arith.muli %add3A_79, %mul3A_80 : i32
      %add3A_82 = arith.addi %mul3A_2, %mul3A_81 : i32
      %eq3A_83 = arith.constant 0 : i32
      %eq3A_84 = arith.cmpi eq, %add3A_79, %eq3A_83 : i32
      %convert_element_type3A_85 = arith.extui %eq3A_84 : i1 to i32
      %cond3A_86 = arith.constant 0 : i32
      %cond3A_87 = arith.cmpi ne, %convert_element_type3A_85, %cond3A_86 : i32
      scf.if %cond3A_87 {
        "tpu.region"() ({
          %run_scoped3A = tpu.sem_alloc : memref<!tpu.dma_semaphore, #tpu.memory_space<semaphore_mem>>
          %dma_start3A_112 = tpu.memref_slice %arg2[%add3A_82] : memref<4194304xi32, #tpu.memory_space<hbm>> -> memref<2048xi32, #tpu.memory_space<hbm>>
          %dma_start3A_113 = tpu.memref_slice %arg2[%add3A_82] : memref<4194304xi32, #tpu.memory_space<hbm>> -> memref<2048xi32, #tpu.memory_space<hbm>>
          tpu.enqueue_dma source(%dma_start3A_113 : memref<2048xi32, #tpu.memory_space<hbm>>) target(%arg7 : memref<2048xi32, #tpu.memory_space<vmem>>) target_semaphore(%run_scoped3A : memref<!tpu.dma_semaphore, #tpu.memory_space<semaphore_mem>>)
          %dma_wait3A_114 = tpu.memref_slice %arg2[%add3A_82] : memref<4194304xi32, #tpu.memory_space<hbm>> -> memref<2048xi32, #tpu.memory_space<hbm>>
          %dma_wait3A_115 = tpu.memref_slice %arg2[%add3A_82] : memref<4194304xi32, #tpu.memory_space<hbm>> -> memref<2048xi32, #tpu.memory_space<hbm>>
          tpu.wait_dma2 semaphore(%run_scoped3A : memref<!tpu.dma_semaphore, #tpu.memory_space<semaphore_mem>>) src(%dma_wait3A_115 : memref<2048xi32, #tpu.memory_space<hbm>>) dst(%arg7 : memref<2048xi32, #tpu.memory_space<vmem>>)
          tpu.yield
        }) : () -> ()
      } else {
      }
      %gt3A_88 = arith.constant 0 : i32
      %gt3A_89 = arith.cmpi sgt, %add3A_79, %gt3A_88 : i32
      %convert_element_type3A_90 = arith.extui %gt3A_89 : i1 to i32
      %cond3A_91 = arith.constant 0 : i32
      %cond3A_92 = arith.cmpi ne, %convert_element_type3A_90, %cond3A_91 : i32
      scf.if %cond3A_92 {
        %dma_wait3A_112 = tpu.memref_slice %arg2[%add3A_82] : memref<4194304xi32, #tpu.memory_space<hbm>> -> memref<2048xi32, #tpu.memory_space<hbm>>
        %dma_wait3A_113 = tpu.memref_slice %arg2[%add3A_82] : memref<4194304xi32, #tpu.memory_space<hbm>> -> memref<2048xi32, #tpu.memory_space<hbm>>
        tpu.wait_dma2 semaphore(%arg10 : memref<!tpu.dma_semaphore, #tpu.memory_space<semaphore_mem>>) src(%dma_wait3A_113 : memref<2048xi32, #tpu.memory_space<hbm>>) dst(%arg7 : memref<2048xi32, #tpu.memory_space<vmem>>)
      } else {
      }
      %add3A_93 = arith.constant 1 : i32
      %add3A_94 = arith.addi %add3A_79, %add3A_93 : i32
      %lt3A_95 = arith.constant 64 : i32
      %lt3A_96 = arith.cmpi slt, %add3A_94, %lt3A_95 : i32
      %convert_element_type3A_97 = arith.extui %lt3A_96 : i1 to i32
      %cond3A_98 = arith.constant 0 : i32
      %cond3A_99 = arith.cmpi ne, %convert_element_type3A_97, %cond3A_98 : i32
      scf.if %cond3A_99 {
        %add3A_112 = arith.constant 2048 : i32
        %add3A_113 = arith.addi %add3A_82, %add3A_112 : i32
        %dma_start3A_114 = tpu.memref_slice %arg2[%add3A_113] : memref<4194304xi32, #tpu.memory_space<hbm>> -> memref<2048xi32, #tpu.memory_space<hbm>>
        %dma_start3A_115 = tpu.memref_slice %arg2[%add3A_113] : memref<4194304xi32, #tpu.memory_space<hbm>> -> memref<2048xi32, #tpu.memory_space<hbm>>
        tpu.enqueue_dma source(%dma_start3A_115 : memref<2048xi32, #tpu.memory_space<hbm>>) target(%arg6 : memref<2048xi32, #tpu.memory_space<vmem>>) target_semaphore(%arg10 : memref<!tpu.dma_semaphore, #tpu.memory_space<semaphore_mem>>)
      } else {
      }
      %ge3A_100 = arith.constant 2 : i32
      %ge3A_101 = arith.cmpi sge, %add3A_79, %ge3A_100 : i32
      %convert_element_type3A_102 = arith.extui %ge3A_101 : i1 to i32
      %cond3A_103 = arith.constant 0 : i32
      %cond3A_104 = arith.cmpi ne, %convert_element_type3A_102, %cond3A_103 : i32
      scf.if %cond3A_104 {
        %dma_wait3A_112 = arith.constant 0 : i32
        %dma_wait3A_113 = tpu.memref_slice %arg4[%add3A_82, %dma_wait3A_112] : memref<4194304x16xf32, #tpu.memory_space<hbm>> -> memref<2048x16xf32, #tpu.memory_space<hbm>>
        %dma_wait3A_114 = arith.constant 0 : i32
        %dma_wait3A_115 = tpu.memref_slice %arg4[%add3A_82, %dma_wait3A_114] : memref<4194304x16xf32, #tpu.memory_space<hbm>> -> memref<2048x16xf32, #tpu.memory_space<hbm>>
        tpu.wait_dma2 semaphore(%arg12 : memref<!tpu.dma_semaphore, #tpu.memory_space<semaphore_mem>>) src(%arg9 : memref<2048x16xf32, #tpu.memory_space<vmem>>) dst(%dma_wait3A_115 : memref<2048x16xf32, #tpu.memory_space<hbm>>)
      } else {
      }
      %parallel_loop3A_105 = arith.constant 0 : i32
      %parallel_loop3A_106 = arith.constant 128 : i32
      %parallel_loop3A_107 = arith.constant 1 : i32
      scf.for %parallel_loop3A_112 = %parallel_loop3A_105 to %parallel_loop3A_106 step %parallel_loop3A_107  : i32 {
        %parallel_loop3A_113 = arith.constant 16 : i32
        %parallel_loop3A_114 = arith.muli %parallel_loop3A_112, %parallel_loop3A_113 : i32
        %parallel_loop3A_115 = arith.index_cast %parallel_loop3A_114 : i32 to index
        %parallel_loop3A_116 = tpu.vector_load %arg7[%parallel_loop3A_115] {strides = array<i32>} : memref<2048xi32, #tpu.memory_space<vmem>>, vector<16xi32>,
        %parallel_loop3A_117 = arith.constant 16 : i32
        %parallel_loop3A_118 = arith.muli %parallel_loop3A_112, %parallel_loop3A_117 : i32
        %parallel_loop3A_119 = vector.broadcast %parallel_loop3A_118 : i32 to vector<16xi32>
        %parallel_loop3A_120 = arith.addi %parallel_loop3A_119, %iota3A : vector<16xi32>
        %parallel_loop3A_121 = tpu.vector_load_idx %arg5[%broadcast_in_dim3A_3, %parallel_loop3A_116] : memref<16x256xf32, #tpu.memory_space<vmem>>[vector<16xi32>, vector<16xi32>], vector<16xf32>,
        tpu.vector_store_idx %arg9[%parallel_loop3A_120, %broadcast_in_dim3A_3], %parallel_loop3A_121 : memref<2048x16xf32, #tpu.memory_space<vmem>>[vector<16xi32>, vector<16xi32>], vector<16xf32>,
        %parallel_loop3A_122 = tpu.vector_load_idx %arg5[%broadcast_in_dim3A_5, %parallel_loop3A_116] : memref<16x256xf32, #tpu.memory_space<vmem>>[vector<16xi32>, vector<16xi32>], vector<16xf32>,
        tpu.vector_store_idx %arg9[%parallel_loop3A_120, %broadcast_in_dim3A_5], %parallel_loop3A_122 : memref<2048x16xf32, #tpu.memory_space<vmem>>[vector<16xi32>, vector<16xi32>], vector<16xf32>,
        %parallel_loop3A_123 = tpu.vector_load_idx %arg5[%broadcast_in_dim3A_7, %parallel_loop3A_116] : memref<16x256xf32, #tpu.memory_space<vmem>>[vector<16xi32>, vector<16xi32>], vector<16xf32>,
        tpu.vector_store_idx %arg9[%parallel_loop3A_120, %broadcast_in_dim3A_7], %parallel_loop3A_123 : memref<2048x16xf32, #tpu.memory_space<vmem>>[vector<16xi32>, vector<16xi32>], vector<16xf32>,
        %parallel_loop3A_124 = tpu.vector_load_idx %arg5[%broadcast_in_dim3A_9, %parallel_loop3A_116] : memref<16x256xf32, #tpu.memory_space<vmem>>[vector<16xi32>, vector<16xi32>], vector<16xf32>,
        tpu.vector_store_idx %arg9[%parallel_loop3A_120, %broadcast_in_dim3A_9], %parallel_loop3A_124 : memref<2048x16xf32, #tpu.memory_space<vmem>>[vector<16xi32>, vector<16xi32>], vector<16xf32>,
        %parallel_loop3A_125 = tpu.vector_load_idx %arg5[%broadcast_in_dim3A_11, %parallel_loop3A_116] : memref<16x256xf32, #tpu.memory_space<vmem>>[vector<16xi32>, vector<16xi32>], vector<16xf32>,
        tpu.vector_store_idx %arg9[%parallel_loop3A_120, %broadcast_in_dim3A_11], %parallel_loop3A_125 : memref<2048x16xf32, #tpu.memory_space<vmem>>[vector<16xi32>, vector<16xi32>], vector<16xf32>,
        %parallel_loop3A_126 = tpu.vector_load_idx %arg5[%broadcast_in_dim3A_13, %parallel_loop3A_116] : memref<16x256xf32, #tpu.memory_space<vmem>>[vector<16xi32>, vector<16xi32>], vector<16xf32>,
        tpu.vector_store_idx %arg9[%parallel_loop3A_120, %broadcast_in_dim3A_13], %parallel_loop3A_126 : memref<2048x16xf32, #tpu.memory_space<vmem>>[vector<16xi32>, vector<16xi32>], vector<16xf32>,
        %parallel_loop3A_127 = tpu.vector_load_idx %arg5[%broadcast_in_dim3A_15, %parallel_loop3A_116] : memref<16x256xf32, #tpu.memory_space<vmem>>[vector<16xi32>, vector<16xi32>], vector<16xf32>,
        tpu.vector_store_idx %arg9[%parallel_loop3A_120, %broadcast_in_dim3A_15], %parallel_loop3A_127 : memref<2048x16xf32, #tpu.memory_space<vmem>>[vector<16xi32>, vector<16xi32>], vector<16xf32>,
        %parallel_loop3A_128 = tpu.vector_load_idx %arg5[%broadcast_in_dim3A_17, %parallel_loop3A_116] : memref<16x256xf32, #tpu.memory_space<vmem>>[vector<16xi32>, vector<16xi32>], vector<16xf32>,
        tpu.vector_store_idx %arg9[%parallel_loop3A_120, %broadcast_in_dim3A_17], %parallel_loop3A_128 : memref<2048x16xf32, #tpu.memory_space<vmem>>[vector<16xi32>, vector<16xi32>], vector<16xf32>,
        %parallel_loop3A_129 = tpu.vector_load_idx %arg5[%broadcast_in_dim3A_19, %parallel_loop3A_116] : memref<16x256xf32, #tpu.memory_space<vmem>>[vector<16xi32>, vector<16xi32>], vector<16xf32>,
        tpu.vector_store_idx %arg9[%parallel_loop3A_120, %broadcast_in_dim3A_19], %parallel_loop3A_129 : memref<2048x16xf32, #tpu.memory_space<vmem>>[vector<16xi32>, vector<16xi32>], vector<16xf32>,
        %parallel_loop3A_130 = tpu.vector_load_idx %arg5[%broadcast_in_dim3A_21, %parallel_loop3A_116] : memref<16x256xf32, #tpu.memory_space<vmem>>[vector<16xi32>, vector<16xi32>], vector<16xf32>,
        tpu.vector_store_idx %arg9[%parallel_loop3A_120, %broadcast_in_dim3A_21], %parallel_loop3A_130 : memref<2048x16xf32, #tpu.memory_space<vmem>>[vector<16xi32>, vector<16xi32>], vector<16xf32>,
        %parallel_loop3A_131 = tpu.vector_load_idx %arg5[%broadcast_in_dim3A_23, %parallel_loop3A_116] : memref<16x256xf32, #tpu.memory_space<vmem>>[vector<16xi32>, vector<16xi32>], vector<16xf32>,
        tpu.vector_store_idx %arg9[%parallel_loop3A_120, %broadcast_in_dim3A_23], %parallel_loop3A_131 : memref<2048x16xf32, #tpu.memory_space<vmem>>[vector<16xi32>, vector<16xi32>], vector<16xf32>,
        %parallel_loop3A_132 = tpu.vector_load_idx %arg5[%broadcast_in_dim3A_25, %parallel_loop3A_116] : memref<16x256xf32, #tpu.memory_space<vmem>>[vector<16xi32>, vector<16xi32>], vector<16xf32>,
        tpu.vector_store_idx %arg9[%parallel_loop3A_120, %broadcast_in_dim3A_25], %parallel_loop3A_132 : memref<2048x16xf32, #tpu.memory_space<vmem>>[vector<16xi32>, vector<16xi32>], vector<16xf32>,
        %parallel_loop3A_133 = tpu.vector_load_idx %arg5[%broadcast_in_dim3A_27, %parallel_loop3A_116] : memref<16x256xf32, #tpu.memory_space<vmem>>[vector<16xi32>, vector<16xi32>], vector<16xf32>,
        tpu.vector_store_idx %arg9[%parallel_loop3A_120, %broadcast_in_dim3A_27], %parallel_loop3A_133 : memref<2048x16xf32, #tpu.memory_space<vmem>>[vector<16xi32>, vector<16xi32>], vector<16xf32>,
        %parallel_loop3A_134 = tpu.vector_load_idx %arg5[%broadcast_in_dim3A_29, %parallel_loop3A_116] : memref<16x256xf32, #tpu.memory_space<vmem>>[vector<16xi32>, vector<16xi32>], vector<16xf32>,
        tpu.vector_store_idx %arg9[%parallel_loop3A_120, %broadcast_in_dim3A_29], %parallel_loop3A_134 : memref<2048x16xf32, #tpu.memory_space<vmem>>[vector<16xi32>, vector<16xi32>], vector<16xf32>,
        %parallel_loop3A_135 = tpu.vector_load_idx %arg5[%broadcast_in_dim3A_31, %parallel_loop3A_116] : memref<16x256xf32, #tpu.memory_space<vmem>>[vector<16xi32>, vector<16xi32>], vector<16xf32>,
        tpu.vector_store_idx %arg9[%parallel_loop3A_120, %broadcast_in_dim3A_31], %parallel_loop3A_135 : memref<2048x16xf32, #tpu.memory_space<vmem>>[vector<16xi32>, vector<16xi32>], vector<16xf32>,
        %parallel_loop3A_136 = tpu.vector_load_idx %arg5[%broadcast_in_dim3A_33, %parallel_loop3A_116] : memref<16x256xf32, #tpu.memory_space<vmem>>[vector<16xi32>, vector<16xi32>], vector<16xf32>,
        tpu.vector_store_idx %arg9[%parallel_loop3A_120, %broadcast_in_dim3A_33], %parallel_loop3A_136 : memref<2048x16xf32, #tpu.memory_space<vmem>>[vector<16xi32>, vector<16xi32>], vector<16xf32>,
      } {sc.loop_unroll_factor = 4 : i64, sc.parallel_access}
      %dma_start3A_108 = arith.constant 0 : i32
      %dma_start3A_109 = tpu.memref_slice %arg4[%add3A_82, %dma_start3A_108] : memref<4194304x16xf32, #tpu.memory_space<hbm>> -> memref<2048x16xf32, #tpu.memory_space<hbm>>
      %dma_start3A_110 = arith.constant 0 : i32
      %dma_start3A_111 = tpu.memref_slice %arg4[%add3A_82, %dma_start3A_110] : memref<4194304x16xf32, #tpu.memory_space<hbm>> -> memref<2048x16xf32, #tpu.memory_space<hbm>>
      tpu.enqueue_dma source(%arg9 : memref<2048x16xf32, #tpu.memory_space<vmem>>) target(%dma_start3A_111 : memref<2048x16xf32, #tpu.memory_space<hbm>>) target_semaphore(%arg12 : memref<!tpu.dma_semaphore, #tpu.memory_space<semaphore_mem>>)
    }
    %scan3A_37 = arith.constant 32 : i32
    %add3A_38 = arith.constant 126976 : i32
    %add3A_39 = arith.addi %mul3A_2, %add3A_38 : i32
    %dma_wait3A = arith.constant 0 : i32
    %dma_wait3A_40 = tpu.memref_slice %arg4[%add3A_39, %dma_wait3A] : memref<4194304x16xf32, #tpu.memory_space<hbm>> -> memref<2048x16xf32, #tpu.memory_space<hbm>>
    %dma_wait3A_41 = arith.constant 0 : i32
    %dma_wait3A_42 = tpu.memref_slice %arg4[%add3A_39, %dma_wait3A_41] : memref<4194304x16xf32, #tpu.memory_space<hbm>> -> memref<2048x16xf32, #tpu.memory_space<hbm>>
    tpu.wait_dma2 semaphore(%arg11 : memref<!tpu.dma_semaphore, #tpu.memory_space<semaphore_mem>>) src(%arg8 : memref<2048x16xf32, #tpu.memory_space<vmem>>) dst(%dma_wait3A_42 : memref<2048x16xf32, #tpu.memory_space<hbm>>)
    %add3A_43 = arith.constant 2048 : i32
    %add3A_44 = arith.addi %add3A_39, %add3A_43 : i32
    %dma_wait3A_45 = arith.constant 0 : i32
    %dma_wait3A_46 = tpu.memref_slice %arg4[%add3A_44, %dma_wait3A_45] : memref<4194304x16xf32, #tpu.memory_space<hbm>> -> memref<2048x16xf32, #tpu.memory_space<hbm>>
    %dma_wait3A_47 = arith.constant 0 : i32
    %dma_wait3A_48 = tpu.memref_slice %arg4[%add3A_44, %dma_wait3A_47] : memref<4194304x16xf32, #tpu.memory_space<hbm>> -> memref<2048x16xf32, #tpu.memory_space<hbm>>
    tpu.wait_dma2 semaphore(%arg12 : memref<!tpu.dma_semaphore, #tpu.memory_space<semaphore_mem>>) src(%arg9 : memref<2048x16xf32, #tpu.memory_space<vmem>>) dst(%dma_wait3A_48 : memref<2048x16xf32, #tpu.memory_space<hbm>>)
    return
  }
}

</mosaic_0001>

<sc_bundles>
// kernel: _encode.3.cloned.1.call-start
scs
__scs_entry_jumppad:
0x0: {  	(pc) =	sbr.rel $0x88, $3  }
0x1: {  	(tag) =	ssettag $0x0;
	lr =	simm.s32 $0x1  }
0x2: {  	[smem:$0x3F9F] =	sst lr;
	_ =	strace $0xD0000000  }
0x3: {  	_ = 	snop  }
0x4: {  	_ = 	snop  }
0x5: {  	_ = 	snop  }
0x6: {  	_ = 	snop  }
0x7: {  	_ = 	snop  }
__scs_overlays_trampoline_lowered:
0x8: {  	[smem:$0x3FAE] =	sst s0  }
0x9: {  	[smem:$0x3FAF] =	sst s1  }
0xa: {  	[smem:$0x3FB0] =	sst s2  }
0xb: {  	[smem:$0x3FB1] =	sst s3  }
0xc: {  	[smem:$0x3FB2] =	sst s4  }
0xd: {  	[smem:$0x3FB3] =	sst s5  }
0xe: {  	[smem:$0x3FB4] =	sst s6  }
0xf: {  	[smem:$0x3FB5] =	sst s7  }
0x10: {  	[smem:$0x3FB6] =	sst s8  }
0x11: {  	[smem:$0x3FB7] =	sst s9;
	s0 =	simm.s32 @!p0 $0x0  }
0x12: {  	s1 =	sld [smem:$0x3F9D];
	s0 =	simm.s32 @p0 $0x1  }
0x13: {  	[smem:$0x3FB8] =	sst s0;
	s0 =	simm.s32 @!p1 $0x0  }
0x14: {  	s2 =	sld [smem:$0x3F9C];
	s0 =	simm.s32 @p1 $0x1  }
0x15: {  	[smem:$0x3FB9] =	sst s0;
	s0 =	simm.s32 @!p2 $0x0  }
0x16: {  	s3 =	sld [smem:$0x3FDB];
	s0 =	simm.s32 @p2 $0x1  }
0x17: {  	s4 =	simm.s32 $0x1BF5;
	[smem:$0x3FBB] =	sst s0  }
0x18: {  	s0 =	sld [smem:$0x3F9E];
	_ =	swait.ge [sflag:s4], $0x0  }
0x19: {  	s7 =	sld [smem:$0x3F9F]  }
0x1a: {  	s8 =	sadd.s32 $0xFFFFE003, lr  }
0x1b: {  	s9 =	sadd.s32 $0xFFFFFEF7, lr;
	s5 =	simm.s32 $0xFFFFFFFF;
	p2 =	slt.u32 s8, $0xFFFFF086  }
0x1c: {  	p1 =	slt.u32 s9, $0xF7A;
	s5 =	simm.s32 @!p2 $0x0  }
0x1d: {  	s5 =	simm.s32 @p1 $0x1;
	p0 =	seq.s32 s7, s2  }
0x1e: {  	s7 =	smul.u32 @!p0 $0xF7A, s2;
	p2 =	seq.s32 @!p0 s5, $0x0  }
0x1f: {  	s9 =	smul.u32 $0xF7A, s1;
	s8 =	simm.s32 @!p0 $0x1BF5;
	p2 =	por !p2, p0  }
0x20: {  	[sflag:s8] =	ssyncset.s32 @!p0 $0xFFFFF086;
	s6 =	sadd.s32 @!p0 s3, s7;
	s7 =	simm.s32 @!p0 $0x108  }
0x21: {  	s3 =	sadd.s32 s3, s9;
	s6 =	sadd.s32 @!p0 $0x88, s6;
	s7 =	simm.s32 @p2 $0x1082  }
0x22: {  	[simem:s7], [sflag:s8] =	dma.local @!p0 [hbm:s6], $0xF7A  }
0x23: {  	s9 =	sor.u32 $0xD0000000, s2;
	s6 =	simm.s32 $0x108;
	_ =	swait.ge @!p0 [sflag:s8], $0x0  }
0x24: {  	s3 =	sadd.s32 $0x88, s3;
	s6 =	simm.s32 @!p1 $0x1082;
	[sflag:s4] =	ssyncset.s32 $0xFFFFF086  }
0x25: {  	[simem:s6], [sflag:s4] =	dma.local [hbm:s3], $0xF7A  }
0x26: {  	[smem:$0x3F9F] =	sst s1;
	(tag) =	ssettag s2;
	_ =	strace s9  }
0x27: {  	s1 =	sld [smem:$0x3FAF]  }
0x28: {  	s2 =	sld [smem:$0x3FB0]  }
0x29: {  	s4 =	sld [smem:$0x3FB2]  }
0x2a: {  	p0 =	seq.s32 s5, $0x0;
	s5 =	sld [smem:$0x3FB3]  }
0x2b: {  	s6 =	sld [smem:$0x3FB4]  }
0x2c: {  	s7 =	sld [smem:$0x3FB5]  }
0x2d: {  	s3 =	simm.s32 $0x108;
	s8 =	sld [smem:$0x3FB6]  }
0x2e: {  	s3 =	simm.s32 @!p0 $0x1082;
	s9 =	sld [smem:$0x3FB7]  }
0x2f: {  	lr =	sadd.s32 s0, s3;
	s0 =	sld [smem:$0x3FAE]  }
0x30: {  	s3 =	sld [smem:$0x3FB1]  }
0x31: {  	[smem:$0x3FBA] =	sst s10  }
0x32: {  	s10 =	sld [smem:$0x3FB8];
	_ =	sdelay $0x3  }
0x33: {  	p0 =	seq.s32 s10, $0x1;
	s10 =	sld [smem:$0x3FBA];
	_ =	sdelay $0x3  }
0x34: {  	[smem:$0x3FBA] =	sst s10  }
0x35: {  	s10 =	sld [smem:$0x3FB9];
	_ =	sdelay $0x3  }
0x36: {  	p1 =	seq.s32 s10, $0x1;
	s10 =	sld [smem:$0x3FBA];
	_ =	sdelay $0x3  }
0x37: {  	[smem:$0x3FBA] =	sst s10  }
0x38: {  	s10 =	sld [smem:$0x3FBB]  }
0x39: {  	_ = 	snop;
	(pc) =	sbr.ind lr, $3  }
0x3a: {  	_ = 	snop  }
0x3b: {  	_ = 	snop  }
0x3c: {  	p2 =	seq.s32 s10, $0x1;
	s10 =	sld [smem:$0x3FBA]  }
0x3d: {  	_ =	shalt  }
0x3e: {  	_ =	shalt  }
0x3f: {  	_ =	shalt  }
0x40: {  	_ =	shalt  }
0x41: {  	_ =	shalt  }
0x42: {  	_ =	shalt  }
0x43: {  	_ =	shalt  }
0x44: {  	_ =	shalt  }
0x45: {  	_ =	shalt  }
0x46: {  	_ =	shalt  }
0x47: {  	_ =	shalt  }
0x48: {  	_ =	shalt  }
0x49: {  	_ =	shalt  }
0x4a: {  	_ =	shalt  }
0x4b: {  	_ =	shalt  }
0x4c: {  	_ =	shalt  }
0x4d: {  	_ =	shalt  }
0x4e: {  	_ =	shalt  }
0x4f: {  	_ =	shalt  }
0x50: {  	_ =	shalt  }
0x51: {  	_ =	shalt  }
0x52: {  	_ =	shalt  }
0x53: {  	_ =	shalt  }
0x54: {  	_ =	shalt  }
0x55: {  	_ =	shalt  }
0x56: {  	_ =	shalt  }
0x57: {  	_ =	shalt  }
0x58: {  	_ =	shalt  }
0x59: {  	_ =	shalt  }
0x5a: {  	_ =	shalt  }
0x5b: {  	_ =	shalt  }
0x5c: {  	_ =	shalt  }
0x5d: {  	_ =	shalt  }
0x5e: {  	_ =	shalt  }
0x5f: {  	_ =	shalt  }
0x60: {  	_ =	shalt  }
0x61: {  	_ =	shalt  }
0x62: {  	_ =	shalt  }
0x63: {  	_ =	shalt  }
0x64: {  	_ =	shalt  }
0x65: {  	_ =	shalt  }
0x66: {  	_ =	shalt  }
0x67: {  	_ =	shalt  }
0x68: {  	_ =	shalt  }
0x69: {  	_ =	shalt  }
0x6a: {  	_ =	shalt  }
0x6b: {  	_ =	shalt  }
0x6c: {  	_ =	shalt  }
0x6d: {  	_ =	shalt  }
0x6e: {  	_ =	shalt  }
0x6f: {  	_ =	shalt  }
0x70: {  	_ =	shalt  }
0x71: {  	_ =	shalt  }
0x72: {  	_ =	shalt  }
0x73: {  	_ =	shalt  }
0x74: {  	_ =	shalt  }
0x75: {  	_ =	shalt  }
0x76: {  	_ =	shalt  }
0x77: {  	_ =	shalt  }
0x78: {  	_ =	shalt  }
0x79: {  	_ =	shalt  }
0x7a: {  	_ =	shalt  }
0x7b: {  	_ =	shalt  }
0x7c: {  	_ =	shalt  }
0x7d: {  	_ =	shalt  }
0x7e: {  	_ =	shalt  }
0x7f: {  	_ =	shalt  }
0x80: {  	_ =	shalt  }
0x81: {  	_ =	shalt  }
0x82: {  	_ =	shalt  }
0x83: {  	_ =	shalt  }
0x84: {  	_ =	shalt  }
0x85: {  	_ =	shalt  }
0x86: {  	_ =	shalt  }
0x87: {  	_ =	shalt  }
.Lfunc_end0:
.L_simem_size_0:
called_computation.1_lowered:
.L_overlay_start_0:
0x88: {  	s2 =	sld [smem:$0x3FD9]  }
0x89: {  	s3 =	sld [smem:$0x3FFE];
	_ =	sdelay $0x1  }
0x8a: {  	s1 =	srdreg.scid  }
0x8b: {  	s0 =	sand.u32 $0x1, s1  }
0x8c: {  	s17 =	sshll.u32 s0, $0xA;
	s2 =	sadd.s32 s3, s2  }
0x8d: {  	s2 =	sadd.s32 s2, s17  }
0x8e: {  	[smem:$0x3FC6] =	sst s2  }
0x8f: {  	_ = 	snop  }
0x90: {  	s2 =	sld [smem:$0x3FC9]  }
0x91: {  	s18 =	sld [smem:$0x3FD0];
	(tm) =	ssettm $0x1  }
0x92: {  	s4 =	sld [smem:$0x3FFB];
	_ =	sdelay $0x3  }
0x93: {  	_ =	strace s4  }
0x94: {  	s4 =	sld [smem:$0x3FFC];
	_ =	sdelay $0x3  }
0x95: {  	_ =	strace s4  }
0x96: {  	s4 =	sld [smem:$0x3FFD];
	_ =	sdelay $0x3  }
0x97: {  	_ =	strace s4  }
0x98: {  	_ =	strace $0x8FFFFFFF  }
0x99: {  	s19 =	sld [smem:$0x3FDB];
	_ =	sdelay $0x1  }
0x9a: {  	s5 =	simm.s32 $_scs_section_size  }
0x9b: {  	s6 =	simm.s32 $_size__tile_overlayer_lowered;
	s7 =	simm.s32 $_tile_overlayer_lowered  }
0x9c: {  	s22 =	simm.s32 $0x1BFF;
	s21 =	sshll.u32 s7, $0x1;
	s4 =	sadd.s32 s5, s19  }
0x9d: {  	s8 =	simm.s32 $0x0;
	s20 =	sshll.u32 s6, $0x1;
	s6 =	sadd.s32 s21, s4  }
0x9e: {  	[timem:s8], [sflag:s22] =	dma.local [hbm:s6], s20  }
0x9f: {  	_ =	swait.ge [sflag:s22], s20  }
0xa0: {  	s5 =	ssub.s32 $0x0, s20;
	[sflag:s22] =	ssyncset.done $0x0  }
0xa1: {  	[sflag:s22] =	ssyncadd.s32 s5;
	_ =	sdelay $0x1  }
0xa2: {  	s23 =	simm.s32 $0x1B8B  }
0xa3: {  	_ =	swait.ge [sflag:s23], $0x1  }
0xa4: {  	[sflag:s23] =	ssyncset.done $0x0  }
0xa5: {  	s25 =	simm.s32 $0x1B8E;
	s24 =	sld [smem:$0x3FFE];
	[sflag:s23] =	ssyncadd.s32 $0xFFFFFFFF  }
0xa6: {  	s26 =	simm.s32 $execute0_lowered;
	[smem:$0x3FD2] =	sst s25  }
0xa7: {  	s6 =	sshll.u32 s26, $0x1;
	_ =	strace $0x80000046;
	[dreg:$0x1] =	wrdreg $0xFFFFFFFF  }
0xa8: {  	s28 =	simm.s32 $_size_execute0_lowered;
	s4 =	sadd.s32 s4, s6;
	[dreg:$0x0] =	wrdreg $0x0  }
0xa9: {  	s6 =	sshll.u32 s28, $0x1;
	[dreg:$0x2] =	wrdreg s4  }
0xaa: {  	[dreg:$0x3] =	wrdreg s6  }
0xab: {  	[dreg:$0x4] =	wrdreg $0xC0  }
0xac: {  	_ =	task [dreg:s8], $0x5FFFF  }
0xad: {  	[dreg:$0x1] =	wrdreg $0xFFFFFFFF  }
0xae: {  	[dreg:$0x0] =	wrdreg $0x60  }
0xaf: {  	[dreg:$0x2] =	wrdreg s2  }
0xb0: {  	[dreg:$0x3] =	wrdreg s24  }
0xb1: {  	[dreg:$0x4] =	wrdreg s18  }
0xb2: {  	[dreg:$0x5] =	wrdreg $0x9  }
0xb3: {  	_ =	task.clear_ibuf [dreg:s8], $0x6FFFF;
	_ =	strace $0x90000046  }
0xb4: {  	s29 =	simm.s32 $0x9;
	_ =	strace $0x80000048  }
0xb5: {  	_ =	swait.ge [sflag:s29], $0x1  }
0xb6: {  	[sflag:s29] =	ssyncadd.s32 $0xFFFFFFFF  }
0xb7: {  	_ =	strace $0x90000048  }
0xb8: {  	_ =	sfence  }
0xb9: {  	s30 =	sld [smem:$0x0];
	_ =	sdelay $0x2  }
0xba: {  	s31 =	sshll.u32 s1, $0xD;
	s1 =	sshrl.u32 s1, $0x2  }
0xbb: {  	s3 =	sand.u32 $0x4000, s31;
	s1 =	sadd.s32 s1, s30  }
0xbc: {  	s0 =	sor.u32 s3, s0;
	s1 =	sshll.u32 s1, $0x11  }
0xbd: {  	s0 =	sor.u32 s1, s0  }
0xbe: {  	s0 =	sadd.s32 $0x8F2B, s0  }
0xbf: {  	[sflag:s0] =	ssyncadd.remote.s32 $0x1  }
0xc0: {  	_ =	sfence.sel $0xFFFF  }
0xc1: {  	[dreg:$0x0] =	wrdreg $0xFFFFFFFF;
	(pc) =	sbr.abs _section_cstart, $3  }
0xc2: {  	[dreg:$0x1] =	wrdreg $0xFFFFFFFF  }
0xc3: {  	_ =	task.clear_ibuf [dreg:s8], $0x2FFFF;
	_ =	strace $0x9FFFFFFF  }
0xc4: {  	(tm) =	ssettm $0x7FFFFFFF  }
0xc5: {  	_ =	shalt  }
tec
execute0_lowered:
.L_overlay_start_1:
0x0: {  	(tag) =	ssettag $0x1  }
0x1: {  	s1 =	rddreg [dreg:$0x0]  }
0x2: {  	s6 =	rddreg [dreg:$0x1]  }
0x3: {  	s3 =	rddreg [dreg:$0x2]  }
0x4: {  	s0 =	rddreg [dreg:$0x3];
	s5 =	srdreg.scid  }
0x5: {  	s4 =	simm.s32 $0x0;
	s2 =	stileid.u32;
	s11 =	simm.s32 $0x4  }
0x6: {  	s12 =	simm.s32 $0x2000;
	s13 =	simm.s32 $0x1;
	s14 =	simm.s32 $0xA000  }
0x7: {  	s15 =	simm.s32 $0x2;
	s16 =	simm.s32 $0x3;
	s17 =	simm.s32 $0x0  }
0x8: {  	s5 =	sand.u32 $0x1, s5;
	[smem:$0x7FF] =	sst s4;
	s7 =	sshll.u32 s2, $0x12  }
0x9: {  	v0 =	vlaneseq.u32;
	s6 =	sadd.s32 $0x800, s6;
	s8 =	sshll.u32 s5, $0x11;
	s9 =	ssub.s32 $0x2, s5  }
0xa: {  	v59 =	vmul.u32 $0x10, v0;
	_ =	strace $0x80000047;
	s5 =	sor.u32 s8, s7;
	s31 =	sshrl.u32 s9, $0x1  }
0xb: {  	s8 =	sadd.s32 $0x100, s1;
	s10 =	sshrl.u32 s5, $0x3;
	s9 =	ssub.s32 s9, s31  }
0xc: {  	[tilespmem:$0x1FFF0] =	vst v59;
	s7 =	sadd.s32 s1, s10;
	s9 =	smax.u32 s9, $0x1;
	s10 =	sadd.s32 s10, s8  }
.LBB2_1:
0xd: {  	[tilespmem:s4], [sflag:$0x4] =	stream.linear.gather [hbm4b:s6+s4], $0x1000, $0x38;
	[tilespmem:$0x12000] =	vst v63  }
0xe: {  	_ =	swait.ge [sflag:s11], $0x1000  }
0xf: {  	[sflag:s11] =	ssyncset.done $0x0  }
0x10: {  	s18 =	simm.s32 $0x0;
	[sflag:s11] =	ssyncadd.s32 $0xFFFFF000  }
.LBB2_2:
0x11: {  	p0 =	sne.s32 s18, $0x0  }
0x12: {  	s20 =	simm.s32 @p0 $0x1  }
0x13: {  	s19 =	sshll.u32 s18, $0xC;
	_ =	swait.ge @p0 [sflag:s20], $0x800  }
0x14: {  	s19 =	sor.u32 s5, s19;
	[sflag:s20] =	ssyncset.done @p0 $0x0  }
0x15: {  	[sflag:s20] =	ssyncadd.s32 @p0 $0xFFFFF800;
	s20 =	sshrl.u32 @p0 s19, $0x3  }
0x16: {  	s21 =	simm.s32 @p0 $0x0;
	s22 =	simm.s32 @p0 $0x1800;
	s20 =	sadd.s32 @p0 s20, s8  }
0x17: {  	[tilespmem:s22], [sflag:$0x1] =	stream.linear.gather @p0 [hbm4b:s20+s21], $0x800, $0x38;
	[tilespmem:$0x12000] =	vst v63  }
0x18: {  	s20 =	simm.s32 @p0 $0x2  }
0x19: {  	_ =	swait.ge @p0 [sflag:s20], $0x8000  }
0x1a: {  	[sflag:s20] =	ssyncset.done @p0 $0x0  }
0x1b: {  	s21 =	simm.s32 @!p0 $0x1000;
	[sflag:s20] =	ssyncadd.s32 @p0 $0xFFFF8000;
	s20 =	simm.s32 @!p0 $0x0  }
0x1c: {  	[tilespmem:s21], [sflag:$0x4] =	stream.linear.gather @!p0 [hbm4b:s7+s20], $0x800, $0x38;
	[tilespmem:$0x12000] =	vst v63  }
0x1d: {  	s21 =	simm.s32 @!p0 $0x4  }
0x1e: {  	_ =	swait.ge @!p0 [sflag:s21], $0x800  }
0x1f: {  	[sflag:s21] =	ssyncset.done @!p0 $0x0  }
0x20: {  	s22 =	simm.s32 $0x1020;
	[sflag:s21] =	ssyncadd.s32 @!p0 $0xFFFFF800;
	s21 =	simm.s32 @!p0 $0x1800  }
0x21: {  	[tilespmem:s21], [sflag:$0x1] =	stream.linear.gather @!p0 [hbm4b:s10+s20], $0x800, $0x38;
	[tilespmem:$0x12000] =	vst v63  }
0x22: {  	v5 =	vld [tilespmem:s22+$0x10]  }
0x23: {  	v3 =	vld [tilespmem:s22+$0xFFFFFFF0]  }
0x24: {  	v4 =	vld [tilespmem:s22+$0x0];
	_ =	sdelay $0x2  }
0x25: {  	s23 =	simm.s32 $0x30;
	v7 =	vld [tilespmem:s22+$0xFFFFFFE0]  }
0x26: {  	s24 =	simm.s32 $0x10;
	v0 =	vmov s23  }
0x27: {  	s25 =	simm.s32 $0x20;
	v1 =	vmov s24;
	v0 =	vshll.u32 v0, $0x4  }
0x28: {  	v2 =	vmov s25;
	v1 =	vshll.u32 v1, $0x4;
	v6 =	vor.u32 v59, v0;
	v11 =	vld.idx.msk [tilespmem:v5+s4+$0x0], $0xffff  }
0x29: {  	v0 =	vshll.u32 v2, $0x4;
	v8 =	vor.u32 v59, v1;
	v1 =	vadd.s32 $0x100, v5;
	v2 =	vld.idx.msk [tilespmem:v3+s4+$0x0], $0xffff  }
0x2a: {  	s26 =	simm.s32 $0x0;
	v9 =	vor.u32 v59, v0;
	v12 =	vadd.s32 $0x100, v3;
	v0 =	vld.idx.msk [tilespmem:v4+s4+$0x0], $0xffff  }
0x2b: {  	v10 =	vmov s26;
	v13 =	vadd.s32 $0x100, v4  }
0x2c: {  	v10 =	vshll.u32 v10, $0x4  }
0x2d: {  	v10 =	vor.u32 v59, v10;
	v14 =	vld.idx.msk [tilespmem:v7+s4+$0x0], $0xffff;
	[tilespmem:v6+s12+$0x0] =	vst.idx.msk $0xffff, v11  }
0x2e: {  	v11 =	vadd.s32 $0x100, v7;
	[tilespmem:v8+s12+$0x0] =	vst.idx.msk $0xffff, v2;
	v2 =	vor.u32 $0x1, v6;
	v1 =	vld.idx.msk [tilespmem:v1+s4+$0x0], $0xffff  }
0x2f: {  	v15 =	vor.u32 $0x1, v8;
	[tilespmem:v9+s12+$0x0] =	vst.idx.msk $0xffff, v0;
	v0 =	vadd.s32 $0x200, v5;
	v12 =	vld.idx.msk [tilespmem:v12+s4+$0x0], $0xffff  }
0x30: {  	v17 =	vor.u32 $0x1, v9;
	v16 =	vadd.s32 $0x200, v3;
	v13 =	vld.idx.msk [tilespmem:v13+s4+$0x0], $0xffff  }
0x31: {  	v18 =	vadd.s32 $0x200, v4  }
0x32: {  	[tilespmem:v10+s12+$0x0] =	vst.idx.msk $0xffff, v14  }
0x33: {  	v14 =	vor.u32 $0x1, v10;
	v11 =	vld.idx.msk [tilespmem:v11+s4+$0x0], $0xffff;
	[tilespmem:v2+s12+$0x0] =	vst.idx.msk $0xffff, v1  }
0x34: {  	v1 =	vadd.s32 $0x200, v7;
	[tilespmem:v15+s12+$0x0] =	vst.idx.msk $0xffff, v12;
	v2 =	vor.u32 $0x2, v6;
	v0 =	vld.idx.msk [tilespmem:v0+s4+$0x0], $0xffff  }
0x35: {  	v12 =	vor.u32 $0x2, v8;
	[tilespmem:v17+s12+$0x0] =	vst.idx.msk $0xffff, v13;
	v13 =	vadd.s32 $0x300, v5;
	v15 =	vld.idx.msk [tilespmem:v16+s4+$0x0], $0xffff  }
0x36: {  	v17 =	vadd.s32 $0x300, v3;
	v16 =	vor.u32 $0x2, v9;
	v18 =	vld.idx.msk [tilespmem:v18+s4+$0x0], $0xffff  }
0x37: {  	v19 =	vadd.s32 $0x300, v4  }
0x38: {  	[tilespmem:v14+s12+$0x0] =	vst.idx.msk $0xffff, v11  }
0x39: {  	v11 =	vor.u32 $0x2, v10;
	v1 =	vld.idx.msk [tilespmem:v1+s4+$0x0], $0xffff;
	[tilespmem:v2+s12+$0x0] =	vst.idx.msk $0xffff, v0  }
0x3a: {  	v0 =	vadd.s32 $0x300, v7;
	[tilespmem:v12+s12+$0x0] =	vst.idx.msk $0xffff, v15;
	v12 =	vor.u32 $0x3, v6;
	v2 =	vld.idx.msk [tilespmem:v13+s4+$0x0], $0xffff  }
0x3b: {  	[tilespmem:v16+s12+$0x0] =	vst.idx.msk $0xffff, v18;
	v15 =	vadd.s32 $0x400, v5;
	v13 =	vor.u32 $0x3, v8;
	v14 =	vld.idx.msk [tilespmem:v17+s4+$0x0], $0xffff  }
0x3c: {  	v16 =	vor.u32 $0x3, v9;
	v17 =	vadd.s32 $0x400, v3;
	v18 =	vld.idx.msk [tilespmem:v19+s4+$0x0], $0xffff  }
0x3d: {  	v19 =	vadd.s32 $0x400, v4  }
0x3e: {  	[tilespmem:v11+s12+$0x0] =	vst.idx.msk $0xffff, v1  }
0x3f: {  	v1 =	vor.u32 $0x3, v10;
	v0 =	vld.idx.msk [tilespmem:v0+s4+$0x0], $0xffff;
	[tilespmem:v12+s12+$0x0] =	vst.idx.msk $0xffff, v2  }
0x40: {  	v2 =	vadd.s32 $0x400, v7;
	[tilespmem:v13+s12+$0x0] =	vst.idx.msk $0xffff, v14;
	v12 =	vor.u32 $0x4, v6;
	v11 =	vld.idx.msk [tilespmem:v15+s4+$0x0], $0xffff  }
0x41: {  	v13 =	vor.u32 $0x4, v8;
	[tilespmem:v16+s12+$0x0] =	vst.idx.msk $0xffff, v18;
	v14 =	vld.idx.msk [tilespmem:v17+s4+$0x0], $0xffff;
	v15 =	vadd.s32 $0x500, v5  }
0x42: {  	v16 =	vor.u32 $0x4, v9;
	v17 =	vadd.s32 $0x500, v3;
	v18 =	vld.idx.msk [tilespmem:v19+s4+$0x0], $0xffff  }
0x43: {  	v19 =	vadd.s32 $0x500, v4  }
0x44: {  	[tilespmem:v1+s12+$0x0] =	vst.idx.msk $0xffff, v0  }
0x45: {  	v0 =	vor.u32 $0x4, v10;
	v1 =	vld.idx.msk [tilespmem:v2+s4+$0x0], $0xffff;
	[tilespmem:v12+s12+$0x0] =	vst.idx.msk $0xffff, v11  }
0x46: {  	v2 =	vadd.s32 $0x500, v7;
	[tilespmem:v13+s12+$0x0] =	vst.idx.msk $0xffff, v14;
	v12 =	vor.u32 $0x5, v6;
	v11 =	vld.idx.msk [tilespmem:v15+s4+$0x0], $0xffff  }
0x47: {  	v13 =	vor.u32 $0x5, v8;
	[tilespmem:v16+s12+$0x0] =	vst.idx.msk $0xffff, v18;
	v14 =	vld.idx.msk [tilespmem:v17+s4+$0x0], $0xffff;
	v15 =	vadd.s32 $0x600, v5  }
0x48: {  	v16 =	vor.u32 $0x5, v9;
	v17 =	vadd.s32 $0x600, v3;
	v18 =	vld.idx.msk [tilespmem:v19+s4+$0x0], $0xffff  }
0x49: {  	v19 =	vadd.s32 $0x600, v4  }
0x4a: {  	[tilespmem:v0+s12+$0x0] =	vst.idx.msk $0xffff, v1  }
0x4b: {  	v0 =	vor.u32 $0x5, v10;
	v1 =	vld.idx.msk [tilespmem:v2+s4+$0x0], $0xffff;
	[tilespmem:v12+s12+$0x0] =	vst.idx.msk $0xffff, v11  }
0x4c: {  	v2 =	vadd.s32 $0x600, v7;
	[tilespmem:v13+s12+$0x0] =	vst.idx.msk $0xffff, v14;
	v12 =	vor.u32 $0x6, v6;
	v11 =	vld.idx.msk [tilespmem:v15+s4+$0x0], $0xffff  }
0x4d: {  	v13 =	vor.u32 $0x6, v8;
	[tilespmem:v16+s12+$0x0] =	vst.idx.msk $0xffff, v18;
	v14 =	vld.idx.msk [tilespmem:v17+s4+$0x0], $0xffff;
	v15 =	vadd.s32 $0x700, v5  }
0x4e: {  	v16 =	vor.u32 $0x6, v9;
	v17 =	vadd.s32 $0x700, v3;
	v18 =	vld.idx.msk [tilespmem:v19+s4+$0x0], $0xffff  }
0x4f: {  	v19 =	vadd.s32 $0x700, v4  }
0x50: {  	[tilespmem:v0+s12+$0x0] =	vst.idx.msk $0xffff, v1  }
0x51: {  	v0 =	vor.u32 $0x6, v10;
	v1 =	vld.idx.msk [tilespmem:v2+s4+$0x0], $0xffff;
	[tilespmem:v12+s12+$0x0] =	vst.idx.msk $0xffff, v11  }
0x52: {  	v2 =	vadd.s32 $0x700, v7;
	[tilespmem:v13+s12+$0x0] =	vst.idx.msk $0xffff, v14;
	v12 =	vor.u32 $0x7, v6;
	v11 =	vld.idx.msk [tilespmem:v15+s4+$0x0], $0xffff  }
0x53: {  	v13 =	vor.u32 $0x7, v8;
	[tilespmem:v16+s12+$0x0] =	vst.idx.msk $0xffff, v18;
	v14 =	vld.idx.msk [tilespmem:v17+s4+$0x0], $0xffff;
	v15 =	vadd.s32 $0x800, v5  }
0x54: {  	v16 =	vor.u32 $0x7, v9;
	v17 =	vadd.s32 $0x800, v3;
	v18 =	vld.idx.msk [tilespmem:v19+s4+$0x0], $0xffff  }
0x55: {  	v19 =	vadd.s32 $0x800, v4  }
0x56: {  	[tilespmem:v0+s12+$0x0] =	vst.idx.msk $0xffff, v1  }
0x57: {  	v0 =	vld.idx.msk [tilespmem:v2+s4+$0x0], $0xffff;
	[tilespmem:v12+s12+$0x0] =	vst.idx.msk $0xffff, v11  }
0x58: {  	[tilespmem:v13+s12+$0x0] =	vst.idx.msk $0xffff, v14;
	v14 =	vor.u32 $0x7, v10;
	v2 =	vld.idx.msk [tilespmem:v15+s4+$0x0], $0xffff  }
0x59: {  	v11 =	vor.u32 $0x8, v6;
	[tilespmem:v16+s12+$0x0] =	vst.idx.msk $0xffff, v18;
	v12 =	vld.idx.msk [tilespmem:v17+s4+$0x0], $0xffff  }
0x5a: {  	s28 =	simm.s32 $0x1060;
	v18 =	vadd.s32 $0x800, v7;
	v17 =	vld.idx.msk [tilespmem:v19+s4+$0x0], $0xffff;
	v19 =	vor.u32 $0x8, v8  }
0x5b: {  	v24 =	vld [tilespmem:s28+$0xFFFFFFE0];
	v13 =	vadd.s32 $0x900, v5  }
0x5c: {  	v20 =	vor.u32 $0x8, v9;
	v21 =	vadd.s32 $0x900, v3;
	v1 =	vld [tilespmem:s28+$0x10]  }
0x5d: {  	v15 =	vld [tilespmem:s28+$0xFFFFFFF0];
	[tilespmem:v14+s12+$0x0] =	vst.idx.msk $0xffff, v0  }
0x5e: {  	v22 =	vadd.s32 $0x900, v4;
	v16 =	vld [tilespmem:s28+$0x0];
	[tilespmem:v11+s12+$0x0] =	vst.idx.msk $0xffff, v2  }
0x5f: {  	v14 =	vor.u32 $0x8, v10;
	[tilespmem:v19+s12+$0x0] =	vst.idx.msk $0xffff, v12;
	v12 =	vld.idx.msk [tilespmem:v18+s4+$0x0], $0xffff  }
0x60: {  	v0 =	vor.u32 $0x9, v6;
	v11 =	vld.idx.msk [tilespmem:v13+s4+$0x0], $0xffff  }
0x61: {  	s29 =	simm.s32 $0x70;
	v18 =	vadd.s32 $0x900, v7;
	[tilespmem:v20+s12+$0x0] =	vst.idx.msk $0xffff, v17;
	v19 =	vor.u32 $0x9, v8;
	v17 =	vld.idx.msk [tilespmem:v21+s4+$0x0], $0xffff  }
0x62: {  	s30 =	simm.s32 $0x50;
	v2 =	vmov s29;
	v13 =	vadd.s32 $0xA00, v5  }
0x63: {  	v23 =	vmov s30;
	v20 =	vor.u32 $0x9, v9;
	v21 =	vld.idx.msk [tilespmem:v22+s4+$0x0], $0xffff;
	v2 =	vshll.u32 v2, $0x4  }
0x64: {  	v23 =	vshll.u32 v23, $0x4;
	s20 =	simm.s32 $0x40;
	v25 =	vld.idx.msk [tilespmem:v1+s4+$0x0], $0xffff;
	v2 =	vor.u32 v59, v2;
	[tilespmem:v14+s12+$0x0] =	vst.idx.msk $0xffff, v12  }
0x65: {  	s31 =	simm.s32 $0x60;
	v49 =	vor.u32 v59, v23;
	v26 =	vmov s20;
	v22 =	vadd.s32 $0xA00, v3;
	v27 =	vld.idx.msk [tilespmem:v15+s4+$0x0], $0xffff;
	[tilespmem:v0+s12+$0x0] =	vst.idx.msk $0xffff, v11  }
0x66: {  	v23 =	vadd.s32 $0x100, v15;
	v0 =	vmov s31;
	[tilespmem:v19+s12+$0x0] =	vst.idx.msk $0xffff, v17;
	v18 =	vld.idx.msk [tilespmem:v18+s4+$0x0], $0xffff;
	v19 =	vor.u32 $0x9, v10  }
0x67: {  	v12 =	vor.u32 $0xA, v6;
	v11 =	vadd.s32 $0x100, v1;
	v13 =	vld.idx.msk [tilespmem:v13+s4+$0x0], $0xffff;
	v0 =	vshll.u32 v0, $0x4  }
0x68: {  	v28 =	vld.idx.msk [tilespmem:v16+s4+$0x0], $0xffff;
	v14 =	vshll.u32 v26, $0x4;
	v17 =	vadd.s32 $0xB00, v5;
	[tilespmem:v20+s12+$0x0] =	vst.idx.msk $0xffff, v21;
	v50 =	vor.u32 v59, v0  }
0x69: {  	v51 =	vor.u32 v59, v14;
	v14 =	vadd.s32 $0x100, v16;
	[tilespmem:v2+s12+$0x0] =	vst.idx.msk $0xffff, v25;
	v0 =	vld.idx.msk [tilespmem:v24+s4+$0x0], $0xffff  }
0x6a: {  	v21 =	vld.idx.msk [tilespmem:v22+s4+$0x0], $0xffff;
	v22 =	vadd.s32 $0xA00, v7;
	[tilespmem:v49+s12+$0x0] =	vst.idx.msk $0xffff, v27  }
0x6b: {  	v20 =	vadd.s32 $0x100, v24;
	v25 =	vor.u32 $0xA, v8;
	v23 =	vld.idx.msk [tilespmem:v23+s4+$0x0], $0xffff;
	[tilespmem:v19+s12+$0x0] =	vst.idx.msk $0xffff, v18  }
0x6c: {  	v26 =	vadd.s32 $0xA00, v4;
	v27 =	vor.u32 $0x1, v2;
	v11 =	vld.idx.msk [tilespmem:v11+s4+$0x0], $0xffff;
	[tilespmem:v12+s12+$0x0] =	vst.idx.msk $0xffff, v13  }
0x6d: {  	v12 =	vor.u32 $0x1, v49;
	v13 =	vadd.s32 $0x200, v1;
	[tilespmem:v50+s12+$0x0] =	vst.idx.msk $0xffff, v28;
	v17 =	vld.idx.msk [tilespmem:v17+s4+$0x0], $0xffff  }
0x6e: {  	v28 =	vadd.s32 $0x200, v15;
	[tilespmem:v51+s12+$0x0] =	vst.idx.msk $0xffff, v0;
	v0 =	vld.idx.msk [tilespmem:v14+s4+$0x0], $0xffff;
	v14 =	vor.u32 $0xB, v6  }
0x6f: {  	v29 =	vor.u32 $0x1, v50;
	v22 =	vld.idx.msk [tilespmem:v22+s4+$0x0], $0xffff  }
0x70: {  	v18 =	vadd.s32 $0xC00, v5;
	v19 =	vor.u32 $0x1, v51;
	[tilespmem:v25+s12+$0x0] =	vst.idx.msk $0xffff, v21;
	v20 =	vld.idx.msk [tilespmem:v20+s4+$0x0], $0xffff  }
0x71: {  	v30 =	vadd.s32 $0x200, v16;
	v21 =	vor.u32 $0xA, v10;
	[tilespmem:v27+s12+$0x0] =	vst.idx.msk $0xffff, v11;
	v11 =	vld.idx.msk [tilespmem:v26+s4+$0x0], $0xffff  }
0x72: {  	v25 =	vadd.s32 $0x200, v24;
	v26 =	vor.u32 $0xA, v9;
	[tilespmem:v12+s12+$0x0] =	vst.idx.msk $0xffff, v23;
	v12 =	vld.idx.msk [tilespmem:v13+s4+$0x0], $0xffff  }
0x73: {  	v27 =	vadd.s32 $0xB00, v7;
	v23 =	vld.idx.msk [tilespmem:v28+s4+$0x0], $0xffff;
	v28 =	vor.u32 $0x2, v2;
	[tilespmem:v14+s12+$0x0] =	vst.idx.msk $0xffff, v17  }
0x74: {  	v13 =	vadd.s32 $0xB00, v3;
	v14 =	vor.u32 $0x2, v49;
	[tilespmem:v29+s12+$0x0] =	vst.idx.msk $0xffff, v0  }
0x75: {  	v0 =	vadd.s32 $0x300, v1;
	[tilespmem:v19+s12+$0x0] =	vst.idx.msk $0xffff, v20;
	v20 =	vor.u32 $0xC, v6;
	v17 =	vld.idx.msk [tilespmem:v18+s4+$0x0], $0xffff  }
0x76: {  	[tilespmem:v21+s12+$0x0] =	vst.idx.msk $0xffff, v22;
	v29 =	vor.u32 $0x2, v50;
	v18 =	vadd.s32 $0x300, v15;
	v19 =	vld.idx.msk [tilespmem:v30+s4+$0x0], $0xffff  }
0x77: {  	v21 =	vadd.s32 $0xD00, v5;
	v25 =	vld.idx.msk [tilespmem:v25+s4+$0x0], $0xffff;
	v30 =	vor.u32 $0x2, v51;
	[tilespmem:v26+s12+$0x0] =	vst.idx.msk $0xffff, v11  }
0x78: {  	v31 =	vadd.s32 $0x300, v16;
	v27 =	vld.idx.msk [tilespmem:v27+s4+$0x0], $0xffff;
	v11 =	vor.u32 $0xB, v10;
	[tilespmem:v28+s12+$0x0] =	vst.idx.msk $0xffff, v12  }
0x79: {  	v32 =	vadd.s32 $0x300, v24;
	v26 =	vor.u32 $0xB, v8;
	v12 =	vld.idx.msk [tilespmem:v13+s4+$0x0], $0xffff;
	[tilespmem:v14+s12+$0x0] =	vst.idx.msk $0xffff, v23  }
0x7a: {  	v34 =	vor.u32 $0x3, v2;
	v22 =	vadd.s32 $0xB00, v4;
	v0 =	vld.idx.msk [tilespmem:v0+s4+$0x0], $0xffff;
	[tilespmem:v20+s12+$0x0] =	vst.idx.msk $0xffff, v17  }
0x7b: {  	v28 =	vadd.s32 $0xC00, v7;
	v18 =	vld.idx.msk [tilespmem:v18+s4+$0x0], $0xffff;
	v20 =	vor.u32 $0x3, v49;
	[tilespmem:v29+s12+$0x0] =	vst.idx.msk $0xffff, v19  }
0x7c: {  	v19 =	vadd.s32 $0x400, v1;
	[tilespmem:v30+s12+$0x0] =	vst.idx.msk $0xffff, v25;
	v30 =	vor.u32 $0xD, v6;
	v21 =	vld.idx.msk [tilespmem:v21+s4+$0x0], $0xffff  }
0x7d: {  	v35 =	vadd.s32 $0x400, v15;
	v36 =	vor.u32 $0x3, v50;
	v25 =	vld.idx.msk [tilespmem:v31+s4+$0x0], $0xffff;
	[tilespmem:v11+s12+$0x0] =	vst.idx.msk $0xffff, v27  }
0x7e: {  	v32 =	vld.idx.msk [tilespmem:v32+s4+$0x0], $0xffff;
	v11 =	vadd.s32 $0xE00, v5;
	[tilespmem:v26+s12+$0x0] =	vst.idx.msk $0xffff, v12  }
0x7f: {  	v37 =	vor.u32 $0x3, v51;
	v12 =	vld.idx.msk [tilespmem:v22+s4+$0x0], $0xffff;
	[tilespmem:v34+s12+$0x0] =	vst.idx.msk $0xffff, v0  }
0x80: {  	v38 =	vadd.s32 $0x400, v16;
	v13 =	vor.u32 $0xB, v9;
	v28 =	vld.idx.msk [tilespmem:v28+s4+$0x0], $0xffff;
	[tilespmem:v20+s12+$0x0] =	vst.idx.msk $0xffff, v18  }
0x81: {  	v33 =	vadd.s32 $0xC00, v3;
	v17 =	vor.u32 $0xC, v10;
	v18 =	vld.idx.msk [tilespmem:v19+s4+$0x0], $0xffff;
	[tilespmem:v30+s12+$0x0] =	vst.idx.msk $0xffff, v21  }
0x82: {  	v39 =	vadd.s32 $0x400, v24;
	v40 =	vor.u32 $0x4, v2;
	v0 =	vor.u32 $0xE, v9;
	v35 =	vld.idx.msk [tilespmem:v35+s4+$0x0], $0xffff;
	[tilespmem:v36+s12+$0x0] =	vst.idx.msk $0xffff, v25  }
0x83: {  	v31 =	vadd.s32 $0xD00, v7;
	v30 =	vor.u32 $0x4, v49;
	v11 =	vld.idx.msk [tilespmem:v11+s4+$0x0], $0xffff;
	[tilespmem:$0x1FFE0] =	vst v0  }
0x84: {  	v48 =	vor.u32 $0xE, v6;
	v61 =	vor.u32 $0xF, v8;
	v23 =	vadd.s32 $0xC00, v4;
	[tilespmem:v37+s12+$0x0] =	vst.idx.msk $0xffff, v32  }
0x85: {  	v52 =	vor.u32 $0xD, v9;
	v55 =	vor.u32 $0x4, v50;
	v25 =	vadd.s32 $0x500, v1;
	v47 =	vld.idx.msk [tilespmem:v38+s4+$0x0], $0xffff;
	[tilespmem:v13+s12+$0x0] =	vst.idx.msk $0xffff, v12  }
0x86: {  	v57 =	vadd.s32 $0xF00, v4;
	v46 =	vadd.s32 $0x500, v15;
	v14 =	vor.u32 $0xC, v8;
	[tilespmem:v17+s12+$0x0] =	vst.idx.msk $0xffff, v28;
	v17 =	vld.idx.msk [tilespmem:v33+s4+$0x0], $0xffff  }
0x87: {  	v29 =	vor.u32 $0xC, v9;
	v5 =	vadd.s32 $0xF00, v5;
	v12 =	vor.u32 $0x4, v51;
	v39 =	vld.idx.msk [tilespmem:v39+s4+$0x0], $0xffff;
	[tilespmem:v40+s12+$0x0] =	vst.idx.msk $0xffff, v18  }
0x88: {  	v27 =	vadd.s32 $0xD00, v3;
	v34 =	vor.u32 $0xD, v10;
	v13 =	vadd.s32 $0x500, v16;
	v31 =	vld.idx.msk [tilespmem:v31+s4+$0x0], $0xffff;
	[tilespmem:v30+s12+$0x0] =	vst.idx.msk $0xffff, v35  }
0x89: {  	v26 =	vadd.s32 $0xD00, v4;
	v21 =	vadd.s32 $0xE00, v4;
	v4 =	vadd.s32 $0x500, v24;
	v18 =	vld.idx.msk [tilespmem:v23+s4+$0x0], $0xffff;
	[tilespmem:v48+s12+$0x0] =	vst.idx.msk $0xffff, v11  }
0x8a: {  	v22 =	vor.u32 $0xD, v8;
	v20 =	vor.u32 $0xE, v8;
	v8 =	vld.idx.msk [tilespmem:v25+s4+$0x0], $0xffff;
	v25 =	vor.u32 $0x5, v2;
	[tilespmem:v55+s12+$0x0] =	vst.idx.msk $0xffff, v47  }
0x8b: {  	v60 =	vor.u32 $0xF, v9;
	v9 =	vor.u32 $0x5, v49;
	v30 =	vadd.s32 $0x600, v1;
	v23 =	vld.idx.msk [tilespmem:v46+s4+$0x0], $0xffff;
	[tilespmem:v14+s12+$0x0] =	vst.idx.msk $0xffff, v17  }
0x8c: {  	v63 =	vadd.s32 $0x600, v15;
	v6 =	vor.u32 $0xF, v6;
	v5 =	vld.idx.msk [tilespmem:v5+s4+$0x0], $0xffff;
	[tilespmem:v12+s12+$0x0] =	vst.idx.msk $0xffff, v39  }
0x8d: {  	v54 =	vor.u32 $0xE, v10;
	v62 =	vor.u32 $0xF, v10;
	v10 =	vor.u32 $0x5, v50;
	v12 =	vld.idx.msk [tilespmem:v13+s4+$0x0], $0xffff;
	[tilespmem:v34+s12+$0x0] =	vst.idx.msk $0xffff, v31  }
0x8e: {  	v11 =	vor.u32 $0x5, v51;
	v13 =	vadd.s32 $0x600, v16;
	v4 =	vld.idx.msk [tilespmem:v4+s4+$0x0], $0xffff;
	[tilespmem:v29+s12+$0x0] =	vst.idx.msk $0xffff, v18  }
0x8f: {  	v28 =	vadd.s32 $0x600, v24;
	[tilespmem:v25+s12+$0x0] =	vst.idx.msk $0xffff, v8;
	v8 =	vld.idx.msk [tilespmem:v27+s4+$0x0], $0xffff  }
0x90: {  	[tilespmem:v9+s12+$0x0] =	vst.idx.msk $0xffff, v23;
	v9 =	vld.idx.msk [tilespmem:v30+s4+$0x0], $0xffff  }
0x91: {  	v53 =	vadd.s32 $0xE00, v7;
	v23 =	vld.idx.msk [tilespmem:v63+s4+$0x0], $0xffff;
	[tilespmem:v6+s12+$0x0] =	vst.idx.msk $0xffff, v5  }
0x92: {  	v6 =	vld.idx.msk [tilespmem:v26+s4+$0x0], $0xffff;
	[tilespmem:v10+s12+$0x0] =	vst.idx.msk $0xffff, v12  }
0x93: {  	v25 =	vor.u32 $0x6, v2;
	[tilespmem:v11+s12+$0x0] =	vst.idx.msk $0xffff, v4;
	v4 =	vld.idx.msk [tilespmem:v13+s4+$0x0], $0xffff;
	v11 =	vor.u32 $0xA, v51  }
0x94: {  	v19 =	vadd.s32 $0xE00, v3;
	v10 =	vld.idx.msk [tilespmem:v28+s4+$0x0], $0xffff;
	[tilespmem:$0x1FF30] =	vst v11  }
0x95: {  	[tilespmem:v22+s12+$0x0] =	vst.idx.msk $0xffff, v8;
	v8 =	vor.u32 $0xA, v50  }
0x96: {  	v55 =	vor.u32 $0x6, v49;
	v11 =	vld.idx.msk [tilespmem:v53+s4+$0x0], $0xffff;
	[tilespmem:$0x1FF40] =	vst v8;
	v8 =	vadd.s32 $0xB00, v24  }
0x97: {  	v5 =	vadd.s32 $0x700, v1;
	[tilespmem:$0x1FF50] =	vst v8  }
0x98: {  	[tilespmem:v25+s12+$0x0] =	vst.idx.msk $0xffff, v9;
	v9 =	vadd.s32 $0xB00, v15  }
0x99: {  	v8 =	vld.idx.msk [tilespmem:v19+s4+$0x0], $0xffff;
	[tilespmem:$0x1FF60] =	vst v9;
	v9 =	vor.u32 $0xB, v51  }
0x9a: {  	v17 =	vadd.s32 $0x700, v15;
	[tilespmem:$0x1FF70] =	vst v9  }
0x9b: {  	v9 =	vor.u32 $0xB, v49;
	[tilespmem:v55+s12+$0x0] =	vst.idx.msk $0xffff, v23  }
0x9c: {  	v58 =	vor.u32 $0x6, v50;
	v5 =	vld.idx.msk [tilespmem:v5+s4+$0x0], $0xffff;
	[tilespmem:$0x1FF80] =	vst v9;
	v9 =	vor.u32 $0xB, v50  }
0x9d: {  	[tilespmem:$0x1FF90] =	vst v9  }
0x9e: {  	[tilespmem:v52+s12+$0x0] =	vst.idx.msk $0xffff, v6;
	v6 =	vadd.s32 $0xC00, v24  }
0x9f: {  	v56 =	vor.u32 $0x6, v51;
	v9 =	vld.idx.msk [tilespmem:v17+s4+$0x0], $0xffff;
	[tilespmem:$0x1FFA0] =	vst v6;
	v6 =	vadd.s32 $0xC00, v15  }
0xa0: {  	[tilespmem:$0x1FFB0] =	vst v6  }
0xa1: {  	[tilespmem:v58+s12+$0x0] =	vst.idx.msk $0xffff, v4;
	v4 =	vadd.s32 $0xC00, v16  }
0xa2: {  	v12 =	vor.u32 $0x7, v2;
	v13 =	vld.idx.msk [tilespmem:v21+s4+$0x0], $0xffff;
	[tilespmem:$0x1FFC0] =	vst v4;
	v4 =	vor.u32 $0xC, v51  }
0xa3: {  	v42 =	vor.u32 $0x9, v49;
	v0 =	vor.u32 $0x7, v49;
	[tilespmem:$0x1FFD0] =	vst v4  }
0xa4: {  	v44 =	vadd.s32 $0x800, v24;
	v45 =	vadd.s32 $0x900, v16;
	v43 =	vadd.s32 $0xA00, v15;
	[tilespmem:v56+s12+$0x0] =	vst.idx.msk $0xffff, v10  }
0xa5: {  	v41 =	vor.u32 $0x9, v50;
	v7 =	vadd.s32 $0xF00, v7;
	v3 =	vadd.s32 $0xF00, v3;
	[tilespmem:v54+s12+$0x0] =	vst.idx.msk $0xffff, v11  }
0xa6: {  	v36 =	vadd.s32 $0xA00, v16;
	v33 =	vadd.s32 $0x800, v15;
	v18 =	vadd.s32 $0x700, v16;
	[tilespmem:v20+s12+$0x0] =	vst.idx.msk $0xffff, v8  }
0xa7: {  	v37 =	vor.u32 $0x9, v51;
	v38 =	vor.u32 $0xA, v49;
	v14 =	vadd.s32 $0x700, v24;
	[tilespmem:v12+s12+$0x0] =	vst.idx.msk $0xffff, v5  }
0xa8: {  	v32 =	vadd.s32 $0xD00, v16;
	v40 =	vor.u32 $0x8, v51;
	v35 =	vadd.s32 $0xA00, v24;
	[tilespmem:v0+s12+$0x0] =	vst.idx.msk $0xffff, v9  }
0xa9: {  	v46 =	vor.u32 $0x8, v49;
	v48 =	vor.u32 $0x8, v50;
	v47 =	vadd.s32 $0x900, v15;
	v0 =	vld [tilespmem:$0x1FFE0]  }
0xaa: {  	v39 =	vadd.s32 $0x900, v24;
	v31 =	vor.u32 $0xC, v49;
	v6 =	vadd.s32 $0x800, v1  }
0xab: {  	v34 =	vadd.s32 $0xE00, v16;
	v29 =	vor.u32 $0x7, v51;
	v27 =	vor.u32 $0x7, v50;
	v10 =	vld.idx.msk [tilespmem:v18+s4+$0x0], $0xffff  }
0xac: {  	v30 =	vadd.s32 $0x800, v16;
	v63 =	vadd.s32 $0xB00, v16;
	v26 =	vadd.s32 $0xE00, v15;
	v14 =	vld.idx.msk [tilespmem:v14+s4+$0x0], $0xffff  }
0xad: {  	v22 =	vor.u32 $0xC, v50;
	v53 =	vadd.s32 $0xD00, v24;
	v25 =	vor.u32 $0xE, v51;
	v4 =	vld.idx.msk [tilespmem:v7+s4+$0x0], $0xffff  }
0xae: {  	v23 =	vadd.s32 $0xD00, v15;
	v55 =	vor.u32 $0xF, v50;
	v52 =	vadd.s32 $0xE00, v24;
	v3 =	vld.idx.msk [tilespmem:v3+s4+$0x0], $0xffff  }
0xaf: {  	v17 =	vadd.s32 $0xF00, v24;
	v15 =	vadd.s32 $0xF00, v15;
	v21 =	vor.u32 $0xD, v50;
	v5 =	vld.idx.msk [tilespmem:v6+s4+$0x0], $0xffff  }
0xb0: {  	v18 =	vor.u32 $0xD, v49;
	v54 =	vor.u32 $0xD, v51;
	v20 =	vor.u32 $0xE, v49;
	v6 =	vld.idx.msk [tilespmem:v33+s4+$0x0], $0xffff;
	[tilespmem:v27+s12+$0x0] =	vst.idx.msk $0xffff, v10  }
0xb1: {  	v11 =	vor.u32 $0xE, v50;
	v12 =	vadd.s32 $0xF00, v16;
	v56 =	vor.u32 $0xF, v49;
	v7 =	vld.idx.msk [tilespmem:v30+s4+$0x0], $0xffff;
	[tilespmem:v0+s12+$0x0] =	vst.idx.msk $0xffff, v13  }
0xb2: {  	s21 =	simm.s32 $0x4;
	s22 =	simm.s32 $0x10A0;
	v49 =	vor.u32 $0xF, v51;
	v8 =	vor.u32 $0x8, v2;
	v9 =	vadd.s32 $0x900, v1;
	[tilespmem:v29+s12+$0x0] =	vst.idx.msk $0xffff, v14;
	v0 =	vld.idx.msk [tilespmem:v57+s4+$0x0], $0xffff  }
.LBB2_3:
0xb3: {  	_ =	sdelay $0x1  }
0xb4: {  	[tilespmem:$0x1FDF0] =	vst v52  }
0xb5: {  	[tilespmem:$0x1FF00] =	vst v12  }
0xb6: {  	v52 =	vld [tilespmem:s22+$0x10];
	[tilespmem:v8+s12+$0x0] =	vst.idx.msk $0xffff, v5  }
0xb7: {  	[tilespmem:v62+s12+$0x0] =	vst.idx.msk $0xffff, v4  }
0xb8: {  	v4 =	vmov v49;
	v49 =	vld [tilespmem:s22+$0xFFFFFFF0];
	[tilespmem:v61+s12+$0x0] =	vst.idx.msk $0xffff, v3  }
0xb9: {  	v50 =	vld [tilespmem:s22+$0x0];
	[tilespmem:v60+s12+$0x0] =	vst.idx.msk $0xffff, v0  }
0xba: {  	v3 =	vmov v56;
	[tilespmem:$0x1FE40] =	vst v4  }
0xbb: {  	s20 =	sadd.s32 $0x40, s20;
	v0 =	vmov v55;
	[tilespmem:$0x1FDC0] =	vst v3;
	v3 =	vld.idx.msk [tilespmem:v9+s4+$0x0], $0xffff;
	v4 =	vor.u32 $0x9, v2  }
0xbc: {  	v5 =	vadd.s32 $0xA00, v1;
	s25 =	sadd.s32 $0x30, s20;
	[tilespmem:$0x1FD90] =	vst v0;
	v0 =	vld.idx.msk [tilespmem:v44+s4+$0x0], $0xffff  }
0xbd: {  	v12 =	vmov s25;
	[tilespmem:v46+s12+$0x0] =	vst.idx.msk $0xffff, v6  }
0xbe: {  	v12 =	vshll.u32 v12, $0x4;
	v8 =	vld.idx.msk [tilespmem:v47+s4+$0x0], $0xffff  }
0xbf: {  	[tilespmem:$0x1FDA0] =	vst v53;
	v53 =	vor.u32 v59, v12;
	v14 =	vld.idx.msk [tilespmem:v52+s4+$0x0], $0xffff  }
0xc0: {  	v51 =	vld [tilespmem:s22+$0xFFFFFFE0];
	[tilespmem:v4+s12+$0x0] =	vst.idx.msk $0xffff, v3;
	v3 =	vadd.s32 $0x100, v52  }
0xc1: {  	s23 =	sadd.s32 $0x10, s20;
	[tilespmem:v40+s12+$0x0] =	vst.idx.msk $0xffff, v0;
	v0 =	vor.u32 $0xA, v2;
	v4 =	vld.idx.msk [tilespmem:v5+s4+$0x0], $0xffff  }
0xc2: {  	[tilespmem:$0x1FDE0] =	vst v54;
	v9 =	vmov s23  }
0xc3: {  	v9 =	vshll.u32 v9, $0x4;
	v16 =	vld.idx.msk [tilespmem:v49+s4+$0x0], $0xffff;
	[tilespmem:v42+s12+$0x0] =	vst.idx.msk $0xffff, v8  }
0xc4: {  	v56 =	vor.u32 v59, v9;
	v8 =	vadd.s32 $0xB00, v1;
	[tilespmem:v53+s12+$0x0] =	vst.idx.msk $0xffff, v14  }
0xc5: {  	[tilespmem:v48+s12+$0x0] =	vst.idx.msk $0xffff, v7;
	v62 =	vor.u32 $0x1, v53;
	v7 =	vadd.s32 $0x100, v49;
	v3 =	vld.idx.msk [tilespmem:v3+s4+$0x0], $0xffff  }
0xc6: {  	v61 =	vld.idx.msk [tilespmem:v43+s4+$0x0], $0xffff;
	[tilespmem:v0+s12+$0x0] =	vst.idx.msk $0xffff, v4;
	v0 =	vadd.s32 $0x200, v52  }
0xc7: {  	[tilespmem:$0x1FEB0] =	vst v15  }
0xc8: {  	[tilespmem:$0x1FEE0] =	vst v11  }
0xc9: {  	s24 =	sadd.s32 $0x20, s20;
	v6 =	vmov s20;
	[tilespmem:v56+s12+$0x0] =	vst.idx.msk $0xffff, v16;
	v4 =	vld.idx.msk [tilespmem:v8+s4+$0x0], $0xffff  }
0xca: {  	v11 =	vmov s24;
	v6 =	vshll.u32 v6, $0x4;
	v7 =	vld.idx.msk [tilespmem:v7+s4+$0x0], $0xffff;
	[tilespmem:v62+s12+$0x0] =	vst.idx.msk $0xffff, v3  }
0xcb: {  	v11 =	vshll.u32 v11, $0x4;
	v54 =	vor.u32 v59, v6;
	[tilespmem:v38+s12+$0x0] =	vst.idx.msk $0xffff, v61;
	v38 =	vld.idx.msk [tilespmem:v0+s4+$0x0], $0xffff;
	v0 =	vor.u32 $0x6, v56  }
0xcc: {  	v55 =	vor.u32 v59, v11;
	v9 =	vld.idx.msk [tilespmem:v51+s4+$0x0], $0xffff;
	[tilespmem:$0x1FE20] =	vst v0;
	v0 =	vor.u32 $0x6, v54  }
0xcd: {  	v15 =	vadd.s32 $0x100, v51;
	v12 =	vld.idx.msk [tilespmem:v39+s4+$0x0], $0xffff;
	[tilespmem:$0x1FE60] =	vst v0;
	v0 =	vor.u32 $0x6, v55  }
0xce: {  	[tilespmem:$0x1FE50] =	vst v0;
	v0 =	vadd.s32 $0x700, v51  }
0xcf: {  	[tilespmem:$0x1FE70] =	vst v0;
	v0 =	vor.u32 $0x7, v56  }
0xd0: {  	[tilespmem:$0x1FEC0] =	vst v0;
	v0 =	vld [tilespmem:$0x1FF30]  }
0xd1: {  	[tilespmem:v54+s12+$0x0] =	vst.idx.msk $0xffff, v9  }
0xd2: {  	v42 =	vor.u32 $0x1, v54;
	v58 =	vld.idx.msk [tilespmem:v15+s4+$0x0], $0xffff;
	[tilespmem:v37+s12+$0x0] =	vst.idx.msk $0xffff, v12  }
0xd3: {  	v44 =	vadd.s32 $0x200, v51;
	v35 =	vld.idx.msk [tilespmem:v35+s4+$0x0], $0xffff;
	_ =	sdelay $0x3  }
0xd4: {  	[tilespmem:v42+s12+$0x0] =	vst.idx.msk $0xffff, v58  }
0xd5: {  	v30 =	vld.idx.msk [tilespmem:v44+s4+$0x0], $0xffff;
	[tilespmem:v0+s12+$0x0] =	vst.idx.msk $0xffff, v35;
	v0 =	vor.u32 $0x7, v54  }
0xd6: {  	[tilespmem:$0x1FF10] =	vst v0;
	v0 =	vor.u32 $0x7, v55  }
0xd7: {  	[tilespmem:$0x1FEF0] =	vst v0;
	v0 =	vld [tilespmem:$0x1FF50];
	_ =	sdelay $0x3  }
0xd8: {  	v13 =	vld.idx.msk [tilespmem:v45+s4+$0x0], $0xffff  }
0xd9: {  	v5 =	vld.idx.msk [tilespmem:v50+s4+$0x0], $0xffff  }
0xda: {  	v6 =	vadd.s32 $0x100, v50;
	_ =	sdelay $0x1  }
0xdb: {  	v62 =	vld.idx.msk [tilespmem:v0+s4+$0x0], $0xffff  }
0xdc: {  	[tilespmem:v41+s12+$0x0] =	vst.idx.msk $0xffff, v13;
	v0 =	vld [tilespmem:$0x1FF40]  }
0xdd: {  	[tilespmem:v55+s12+$0x0] =	vst.idx.msk $0xffff, v5  }
0xde: {  	v40 =	vor.u32 $0x1, v55;
	v48 =	vld.idx.msk [tilespmem:v6+s4+$0x0], $0xffff  }
0xdf: {  	v45 =	vadd.s32 $0x200, v50;
	v36 =	vld.idx.msk [tilespmem:v36+s4+$0x0], $0xffff;
	_ =	sdelay $0x3  }
0xe0: {  	[tilespmem:v40+s12+$0x0] =	vst.idx.msk $0xffff, v48  }
0xe1: {  	v11 =	vor.u32 $0x1, v56;
	v29 =	vld.idx.msk [tilespmem:v45+s4+$0x0], $0xffff;
	[tilespmem:v0+s12+$0x0] =	vst.idx.msk $0xffff, v36;
	v0 =	vadd.s32 $0x800, v49  }
0xe2: {  	v10 =	vadd.s32 $0x200, v49;
	[tilespmem:$0x1FED0] =	vst v0;
	v0 =	vadd.s32 $0x800, v50  }
0xe3: {  	[tilespmem:$0x1FF20] =	vst v0;
	v0 =	vld [tilespmem:$0x1FF60]  }
0xe4: {  	v57 =	vor.u32 $0xB, v2  }
0xe5: {  	v60 =	vor.u32 $0x2, v53;
	v59 =	vadd.s32 $0xC00, v1  }
0xe6: {  	[tilespmem:v11+s12+$0x0] =	vst.idx.msk $0xffff, v7  }
0xe7: {  	v28 =	vadd.s32 $0x300, v52;
	v41 =	vor.u32 $0x2, v56;
	v27 =	vld.idx.msk [tilespmem:v10+s4+$0x0], $0xffff  }
0xe8: {  	[tilespmem:$0x1FDB0] =	vst v22  }
0xe9: {  	[tilespmem:v57+s12+$0x0] =	vst.idx.msk $0xffff, v4  }
0xea: {  	v61 =	vor.u32 $0xC, v2;
	v3 =	vor.u32 $0xA, v54;
	v37 =	vld.idx.msk [tilespmem:v59+s4+$0x0], $0xffff;
	[tilespmem:v60+s12+$0x0] =	vst.idx.msk $0xffff, v38  }
0xeb: {  	v33 =	vadd.s32 $0xD00, v1;
	v22 =	vor.u32 $0x2, v55;
	[tilespmem:$0x1FF30] =	vst v3;
	v60 =	vld.idx.msk [tilespmem:v0+s4+$0x0], $0xffff  }
0xec: {  	v59 =	vor.u32 $0x3, v53;
	v3 =	vor.u32 $0xA, v55;
	[tilespmem:v41+s12+$0x0] =	vst.idx.msk $0xffff, v27;
	v27 =	vld.idx.msk [tilespmem:v28+s4+$0x0], $0xffff  }
0xed: {  	[tilespmem:$0x1FF40] =	vst v3;
	v3 =	vld [tilespmem:$0x1FF80]  }
0xee: {  	[tilespmem:$0x1FE30] =	vst v21  }
0xef: {  	v47 =	vadd.s32 $0x300, v49;
	[tilespmem:v61+s12+$0x0] =	vst.idx.msk $0xffff, v37;
	v0 =	vld [tilespmem:$0x1FF70]  }
0xf0: {  	[tilespmem:v22+s12+$0x0] =	vst.idx.msk $0xffff, v29;
	v29 =	vld.idx.msk [tilespmem:v33+s4+$0x0], $0xffff  }
0xf1: {  	v21 =	vor.u32 $0x2, v54;
	[tilespmem:v59+s12+$0x0] =	vst.idx.msk $0xffff, v27;
	v27 =	vld [tilespmem:$0x1FFA0]  }
0xf2: {  	v43 =	vadd.s32 $0x300, v51;
	_ =	sdelay $0x1  }
0xf3: {  	v28 =	vld.idx.msk [tilespmem:v47+s4+$0x0], $0xffff  }
0xf4: {  	[tilespmem:v3+s12+$0x0] =	vst.idx.msk $0xffff, v60;
	v60 =	vld.idx.msk [tilespmem:v63+s4+$0x0], $0xffff  }
0xf5: {  	[tilespmem:v21+s12+$0x0] =	vst.idx.msk $0xffff, v30;
	v63 =	vld [tilespmem:$0x1FFD0]  }
0xf6: {  	[tilespmem:$0x1FE00] =	vst v18;
	v19 =	vor.u32 $0x3, v54;
	v30 =	vld.idx.msk [tilespmem:v43+s4+$0x0], $0xffff  }
0xf7: {  	v18 =	vadd.s32 $0x400, v51;
	[tilespmem:v0+s12+$0x0] =	vst.idx.msk $0xffff, v62  }
0xf8: {  	v27 =	vld.idx.msk [tilespmem:v27+s4+$0x0], $0xffff;
	_ =	sdelay $0x2  }
0xf9: {  	[tilespmem:v19+s12+$0x0] =	vst.idx.msk $0xffff, v30  }
0xfa: {  	v18 =	vld.idx.msk [tilespmem:v18+s4+$0x0], $0xffff  }
0xfb: {  	v24 =	vor.u32 $0x3, v56;
	[tilespmem:v63+s12+$0x0] =	vst.idx.msk $0xffff, v27;
	v27 =	vld [tilespmem:$0x1FFB0]  }
0xfc: {  	[tilespmem:$0x1FE80] =	vst v25;
	v25 =	vadd.s32 $0x400, v49;
	_ =	sdelay $0x2  }
0xfd: {  	[tilespmem:$0x1FDD0] =	vst v23  }
0xfe: {  	v23 =	vadd.s32 $0x300, v50;
	[tilespmem:v24+s12+$0x0] =	vst.idx.msk $0xffff, v28  }
0xff: {  	[tilespmem:$0x1FE90] =	vst v17;
	v17 =	vor.u32 $0x4, v56;
	v22 =	vadd.s32 $0x400, v52;
	v25 =	vld.idx.msk [tilespmem:v25+s4+$0x0], $0xffff  }
0x100: {  	v16 =	vadd.s32 $0x500, v49  }
0x101: {  	v0 =	vmov v31;
	v27 =	vld.idx.msk [tilespmem:v27+s4+$0x0], $0xffff;
	_ =	sdelay $0x1  }
0x102: {  	v21 =	vld.idx.msk [tilespmem:v23+s4+$0x0], $0xffff;
	v23 =	vor.u32 $0xD, v2  }
0x103: {  	v22 =	vld.idx.msk [tilespmem:v22+s4+$0x0], $0xffff;
	v31 =	vadd.s32 $0xE00, v1;
	[tilespmem:v17+s12+$0x0] =	vst.idx.msk $0xffff, v25  }
0x104: {  	v59 =	vor.u32 $0x4, v53;
	v16 =	vld.idx.msk [tilespmem:v16+s4+$0x0], $0xffff  }
0x105: {  	[tilespmem:v0+s12+$0x0] =	vst.idx.msk $0xffff, v27;
	v0 =	vld [tilespmem:$0x1FDA0];
	_ =	sdelay $0x1  }
0x106: {  	v13 =	vor.u32 $0x4, v54;
	[tilespmem:v23+s12+$0x0] =	vst.idx.msk $0xffff, v29;
	v62 =	vld [tilespmem:$0x1FF90]  }
0x107: {  	[tilespmem:$0x1FEA0] =	vst v20;
	v29 =	vld.idx.msk [tilespmem:v31+s4+$0x0], $0xffff  }
0x108: {  	v20 =	vor.u32 $0x3, v55;
	[tilespmem:v59+s12+$0x0] =	vst.idx.msk $0xffff, v22;
	v22 =	vld [tilespmem:$0x1FFC0]  }
0x109: {  	[tilespmem:$0x1FE10] =	vst v26;
	v26 =	vadd.s32 $0x400, v50;
	_ =	sdelay $0x1  }
0x10a: {  	[tilespmem:v13+s12+$0x0] =	vst.idx.msk $0xffff, v18  }
0x10b: {  	v18 =	vld.idx.msk [tilespmem:v0+s4+$0x0], $0xffff  }
0x10c: {  	[tilespmem:v20+s12+$0x0] =	vst.idx.msk $0xffff, v21;
	v0 =	vld [tilespmem:$0x1FDB0]  }
0x10d: {  	v14 =	vor.u32 $0x4, v55;
	v26 =	vld.idx.msk [tilespmem:v26+s4+$0x0], $0xffff  }
0x10e: {  	v15 =	vadd.s32 $0x500, v50;
	[tilespmem:v62+s12+$0x0] =	vst.idx.msk $0xffff, v60  }
0x10f: {  	v22 =	vld.idx.msk [tilespmem:v22+s4+$0x0], $0xffff  }
0x110: {  	v28 =	vadd.s32 $0xC00, v51  }
0x111: {  	[tilespmem:$0x1FFA0] =	vst v28  }
0x112: {  	v21 =	vadd.s32 $0x500, v52;
	v28 =	vadd.s32 $0xC00, v49;
	[tilespmem:v14+s12+$0x0] =	vst.idx.msk $0xffff, v26  }
0x113: {  	v59 =	vmov v28;
	v13 =	vld.idx.msk [tilespmem:v15+s4+$0x0], $0xffff  }
0x114: {  	[tilespmem:v0+s12+$0x0] =	vst.idx.msk $0xffff, v22;
	v0 =	vld [tilespmem:$0x1FDD0]  }
0x115: {  	v20 =	vadd.s32 $0xC00, v50;
	v31 =	vor.u32 $0xE, v2  }
0x116: {  	v60 =	vadd.s32 $0xF00, v1;
	[tilespmem:$0x1FFB0] =	vst v59;
	v59 =	vmov v20  }
0x117: {  	v21 =	vld.idx.msk [tilespmem:v21+s4+$0x0], $0xffff;
	[tilespmem:$0x1FFC0] =	vst v59;
	v59 =	vor.u32 $0x5, v53;
	_ =	sdelay $0x1  }
0x118: {  	v12 =	vadd.s32 $0x500, v51;
	v19 =	vor.u32 $0xC, v54  }
0x119: {  	[tilespmem:v31+s12+$0x0] =	vst.idx.msk $0xffff, v29;
	v29 =	vmov v19  }
0x11a: {  	[tilespmem:$0x1FFD0] =	vst v29;
	v29 =	vld.idx.msk [tilespmem:v60+s4+$0x0], $0xffff  }
0x11b: {  	[tilespmem:v59+s12+$0x0] =	vst.idx.msk $0xffff, v21;
	v21 =	vld.idx.msk [tilespmem:v0+s4+$0x0], $0xffff  }
0x11c: {  	v0 =	vld [tilespmem:$0x1FDE0]  }
0x11d: {  	v6 =	vor.u32 $0x5, v54;
	v12 =	vld.idx.msk [tilespmem:v12+s4+$0x0], $0xffff  }
0x11e: {  	v5 =	vadd.s32 $0x600, v51;
	_ =	sdelay $0x3  }
0x11f: {  	[tilespmem:v6+s12+$0x0] =	vst.idx.msk $0xffff, v12  }
0x120: {  	v5 =	vld.idx.msk [tilespmem:v5+s4+$0x0], $0xffff  }
0x121: {  	[tilespmem:v0+s12+$0x0] =	vst.idx.msk $0xffff, v18;
	v0 =	vld [tilespmem:$0x1FDF0]  }
0x122: {  	v8 =	vor.u32 $0x5, v55  }
0x123: {  	v10 =	vadd.s32 $0x600, v50;
	_ =	sdelay $0x3  }
0x124: {  	[tilespmem:v8+s12+$0x0] =	vst.idx.msk $0xffff, v13  }
0x125: {  	v6 =	vld.idx.msk [tilespmem:v10+s4+$0x0], $0xffff  }
0x126: {  	v10 =	vld.idx.msk [tilespmem:v0+s4+$0x0], $0xffff  }
0x127: {  	v0 =	vld [tilespmem:$0x1FE00]  }
0x128: {  	v9 =	vor.u32 $0x5, v56  }
0x129: {  	v11 =	vadd.s32 $0x600, v49;
	_ =	sdelay $0x2  }
0x12a: {  	v1 =	vmov v52  }
0x12b: {  	v26 =	vadd.s32 $0x600, v1;
	[tilespmem:v9+s12+$0x0] =	vst.idx.msk $0xffff, v16  }
0x12c: {  	v11 =	vld.idx.msk [tilespmem:v11+s4+$0x0], $0xffff  }
0x12d: {  	[tilespmem:v0+s12+$0x0] =	vst.idx.msk $0xffff, v21;
	v0 =	vld [tilespmem:$0x1FE10];
	_ =	sdelay $0x1  }
0x12e: {  	v15 =	vor.u32 $0xF, v2;
	v2 =	vmov v53  }
0x12f: {  	v9 =	vld.idx.msk [tilespmem:v26+s4+$0x0], $0xffff;
	v16 =	vor.u32 $0x6, v2;
	_ =	sdelay $0x3  }
0x130: {  	[tilespmem:v15+s12+$0x0] =	vst.idx.msk $0xffff, v29  }
0x131: {  	v4 =	vmov v32;
	[tilespmem:v16+s12+$0x0] =	vst.idx.msk $0xffff, v9;
	v9 =	vld.idx.msk [tilespmem:v0+s4+$0x0], $0xffff  }
0x132: {  	v0 =	vld [tilespmem:$0x1FE20];
	_ =	sdelay $0x3  }
0x133: {  	v13 =	vld.idx.msk [tilespmem:v4+s4+$0x0], $0xffff  }
0x134: {  	v4 =	vld [tilespmem:$0x1FE60];
	_ =	sdelay $0x2  }
0x135: {  	v24 =	vor.u32 $0xB, v56;
	[tilespmem:v0+s12+$0x0] =	vst.idx.msk $0xffff, v11;
	v0 =	vld [tilespmem:$0x1FE30]  }
0x136: {  	v3 =	vadd.s32 $0xB00, v51;
	[tilespmem:$0x1FF80] =	vst v24;
	v24 =	vor.u32 $0xB, v55;
	v8 =	vadd.s32 $0x700, v1  }
0x137: {  	[tilespmem:$0x1FF50] =	vst v3;
	v63 =	vmov v24  }
0x138: {  	v3 =	vadd.s32 $0xB00, v49;
	v52 =	vor.u32 $0xD, v56;
	[tilespmem:$0x1FF90] =	vst v63;
	v63 =	vadd.s32 $0xE00, v51  }
0x139: {  	[tilespmem:$0x1FF60] =	vst v3  }
0x13a: {  	v3 =	vadd.s32 $0xB00, v50;
	[tilespmem:v4+s12+$0x0] =	vst.idx.msk $0xffff, v5;
	v5 =	vld [tilespmem:$0x1FEA0]  }
0x13b: {  	v18 =	vmovc v52;
	v52 =	vmov v63;
	v63 =	vmov v3;
	v3 =	vld.idx.msk [tilespmem:v8+s4+$0x0], $0xffff;
	v8 =	vor.u32 $0x7, v2  }
0x13c: {  	v7 =	vadd.s32 $0x700, v49  }
0x13d: {  	[tilespmem:v0+s12+$0x0] =	vst.idx.msk $0xffff, v13;
	v0 =	vld [tilespmem:$0x1FE50];
	_ =	sdelay $0x2  }
0x13e: {  	[tilespmem:v8+s12+$0x0] =	vst.idx.msk $0xffff, v3;
	v3 =	vld [tilespmem:$0x1FEB0]  }
0x13f: {  	v7 =	vld.idx.msk [tilespmem:v7+s4+$0x0], $0xffff  }
0x140: {  	[tilespmem:v5+s12+$0x0] =	vst.idx.msk $0xffff, v9;
	v5 =	vld [tilespmem:$0x1FEC0];
	_ =	sdelay $0x2  }
0x141: {  	[tilespmem:v0+s12+$0x0] =	vst.idx.msk $0xffff, v6;
	v0 =	vadd.s32 $0x800, v1;
	_ =	sdelay $0x2  }
0x142: {  	v4 =	vld [tilespmem:$0x1FE70]  }
0x143: {  	v3 =	vld.idx.msk [tilespmem:v3+s4+$0x0], $0xffff  }
0x144: {  	[tilespmem:v5+s12+$0x0] =	vst.idx.msk $0xffff, v7;
	v5 =	vld.idx.msk [tilespmem:v0+s4+$0x0], $0xffff  }
0x145: {  	v0 =	vld [tilespmem:$0x1FED0];
	_ =	sdelay $0x5  }
0x146: {  	v13 =	vld.idx.msk [tilespmem:v4+s4+$0x0], $0xffff  }
0x147: {  	v57 =	vmov v34;
	v4 =	vld [tilespmem:$0x1FE80]  }
0x148: {  	v6 =	vld.idx.msk [tilespmem:v0+s4+$0x0], $0xffff  }
0x149: {  	v0 =	vld [tilespmem:$0x1FEE0];
	_ =	sdelay $0x1  }
0x14a: {  	v58 =	vadd.s32 $0x700, v50  }
0x14b: {  	v11 =	vld.idx.msk [tilespmem:v57+s4+$0x0], $0xffff;
	_ =	sdelay $0x1  }
0x14c: {  	v7 =	vld [tilespmem:$0x1FF10]  }
0x14d: {  	[tilespmem:v4+s12+$0x0] =	vst.idx.msk $0xffff, v10;
	v4 =	vld [tilespmem:$0x1FE90]  }
0x14e: {  	v12 =	vld.idx.msk [tilespmem:v58+s4+$0x0], $0xffff  }
0x14f: {  	[tilespmem:v0+s12+$0x0] =	vst.idx.msk $0xffff, v11;
	v0 =	vld [tilespmem:$0x1FEF0];
	_ =	sdelay $0x2  }
0x150: {  	v46 =	vor.u32 $0x8, v56;
	v39 =	vadd.s32 $0x900, v51  }
0x151: {  	v40 =	vor.u32 $0x8, v54;
	v48 =	vor.u32 $0x8, v55;
	v32 =	vadd.s32 $0xD00, v49  }
0x152: {  	v34 =	vadd.s32 $0xE00, v49;
	v45 =	vadd.s32 $0x900, v50;
	v42 =	vor.u32 $0x9, v56  }
0x153: {  	v44 =	vadd.s32 $0x800, v51;
	v38 =	vor.u32 $0xA, v56;
	v35 =	vadd.s32 $0xA00, v51;
	v4 =	vld.idx.msk [tilespmem:v4+s4+$0x0], $0xffff  }
0x154: {  	v43 =	vadd.s32 $0xA00, v49;
	v36 =	vadd.s32 $0xA00, v50;
	v41 =	vor.u32 $0x9, v55;
	[tilespmem:v7+s12+$0x0] =	vst.idx.msk $0xffff, v13;
	v7 =	vld [tilespmem:$0x1FF20]  }
0x155: {  	v37 =	vor.u32 $0x9, v54;
	v61 =	vor.u32 $0xB, v54;
	v47 =	vadd.s32 $0x900, v49;
	[tilespmem:v0+s12+$0x0] =	vst.idx.msk $0xffff, v12;
	v0 =	vld [tilespmem:$0x1FF00]  }
0x156: {  	[tilespmem:$0x1FF70] =	vst v61;
	v61 =	vadd.s32 $0xD00, v51;
	v33 =	vadd.s32 $0xD00, v50;
	v23 =	vor.u32 $0xC, v56  }
0x157: {  	s21 =	sadd.s32 $0x4, s21;
	v30 =	vor.u32 $0xC, v55;
	v28 =	vor.u32 $0xE, v55;
	v62 =	vor.u32 $0xD, v55  }
0x158: {  	p0 =	slt.u32 s21, $0x7C;
	v55 =	vor.u32 $0xF, v55;
	v24 =	vor.u32 $0xD, v54;
	v20 =	vor.u32 $0xE, v54;
	v60 =	vld [tilespmem:$0x1FD90]  }
.Ltmp0:
0x159: {  	v19 =	vadd.s32 $0xF00, v49;
	v53 =	vmovc v61;
	v61 =	vld [tilespmem:$0x1FDC0];
	v17 =	vor.u32 $0xE, v56;
	v25 =	vadd.s32 $0xE00, v50;
	(pc) =	sbr.rel @p0 .LBB2_3-.Ltmp0, $4  }
0x15a: {  	v49 =	vor.u32 $0xF, v54;
	v31 =	vmovc v23;
	v23 =	vmovc v32;
	v32 =	vmov v33;
	v51 =	vadd.s32 $0xF00, v51;
	v59 =	vld [tilespmem:$0x1FFF0]  }
0x15b: {  	v54 =	vmovc v24;
	v14 =	vadd.s32 $0xF00, v50;
	v56 =	vor.u32 $0xF, v56;
	v22 =	vmovc v30;
	v21 =	vmov v62;
	v62 =	vld [tilespmem:$0x1FE40]  }
0x15c: {  	v26 =	vmovc v34;
	v34 =	vmovc v25;
	v25 =	vmov v20;
	v20 =	vmov v17;
	v17 =	vmov v51;
	v7 =	vld.idx.msk [tilespmem:v7+s4+$0x0], $0xffff  }
0x15d: {  	s22 =	sadd.s32 $0x40, s22;
	v15 =	vmovc v19;
	v8 =	vor.u32 $0x8, v2;
	v9 =	vadd.s32 $0x900, v1;
	v11 =	vmovc v28;
	v12 =	vmov v14;
	v0 =	vld.idx.msk [tilespmem:v0+s4+$0x0], $0xffff  }
0x15e: {  	_ =	sdelay $0x3  }
0x15f: {  	v10 =	vld.idx.msk [tilespmem:v44+s4+$0x0], $0xffff;
	[tilespmem:v8+s12+$0x0] =	vst.idx.msk $0xffff, v5  }
0x160: {  	v8 =	vor.u32 $0x9, v2;
	v5 =	vld.idx.msk [tilespmem:v9+s4+$0x0], $0xffff  }
0x161: {  	[tilespmem:v46+s12+$0x0] =	vst.idx.msk $0xffff, v6;
	v6 =	vadd.s32 $0xA00, v1  }
0x162: {  	[tilespmem:v48+s12+$0x0] =	vst.idx.msk $0xffff, v7;
	v7 =	vld.idx.msk [tilespmem:v47+s4+$0x0], $0xffff;
	_ =	sdelay $0x1  }
0x163: {  	[tilespmem:v40+s12+$0x0] =	vst.idx.msk $0xffff, v10  }
0x164: {  	v10 =	vld.idx.msk [tilespmem:v45+s4+$0x0], $0xffff;
	[tilespmem:v8+s12+$0x0] =	vst.idx.msk $0xffff, v5  }
0x165: {  	v5 =	vld.idx.msk [tilespmem:v6+s4+$0x0], $0xffff;
	v6 =	vor.u32 $0xA, v2  }
0x166: {  	v9 =	vld.idx.msk [tilespmem:v39+s4+$0x0], $0xffff;
	[tilespmem:v42+s12+$0x0] =	vst.idx.msk $0xffff, v7;
	v7 =	vadd.s32 $0xB00, v1;
	_ =	sdelay $0x2  }
0x167: {  	[tilespmem:v41+s12+$0x0] =	vst.idx.msk $0xffff, v10  }
0x168: {  	[tilespmem:v6+s12+$0x0] =	vst.idx.msk $0xffff, v5  }
0x169: {  	[tilespmem:v37+s12+$0x0] =	vst.idx.msk $0xffff, v9;
	v5 =	vld.idx.msk [tilespmem:v7+s4+$0x0], $0xffff  }
0x16a: {  	v7 =	vld [tilespmem:$0x1FF30];
	_ =	sdelay $0x1  }
0x16b: {  	v9 =	vld.idx.msk [tilespmem:v43+s4+$0x0], $0xffff  }
0x16c: {  	v8 =	vld.idx.msk [tilespmem:v35+s4+$0x0], $0xffff;
	_ =	sdelay $0x3  }
0x16d: {  	[tilespmem:v38+s12+$0x0] =	vst.idx.msk $0xffff, v9  }
0x16e: {  	[tilespmem:v7+s12+$0x0] =	vst.idx.msk $0xffff, v8  }
0x16f: {  	v9 =	vld [tilespmem:$0x1FF40];
	_ =	sdelay $0x2  }
0x170: {  	v10 =	vld.idx.msk [tilespmem:v36+s4+$0x0], $0xffff  }
0x171: {  	v6 =	vor.u32 $0xB, v2  }
0x172: {  	v7 =	vadd.s32 $0xC00, v1  }
0x173: {  	v8 =	vld [tilespmem:$0x1FF50];
	_ =	sdelay $0x1  }
0x174: {  	[tilespmem:v9+s12+$0x0] =	vst.idx.msk $0xffff, v10  }
0x175: {  	v9 =	vld [tilespmem:$0x1FF60];
	[tilespmem:v6+s12+$0x0] =	vst.idx.msk $0xffff, v5  }
0x176: {  	v5 =	vld.idx.msk [tilespmem:v7+s4+$0x0], $0xffff  }
0x177: {  	v7 =	vld [tilespmem:$0x1FF70];
	_ =	sdelay $0x2  }
0x178: {  	v8 =	vld.idx.msk [tilespmem:v8+s4+$0x0], $0xffff;
	_ =	sdelay $0x4  }
0x179: {  	[tilespmem:v7+s12+$0x0] =	vst.idx.msk $0xffff, v8  }
0x17a: {  	v8 =	vld [tilespmem:$0x1FF80];
	_ =	sdelay $0x2  }
0x17b: {  	v9 =	vld.idx.msk [tilespmem:v9+s4+$0x0], $0xffff;
	_ =	sdelay $0x4  }
0x17c: {  	[tilespmem:v8+s12+$0x0] =	vst.idx.msk $0xffff, v9  }
0x17d: {  	v9 =	vld [tilespmem:$0x1FF90];
	_ =	sdelay $0x2  }
0x17e: {  	v10 =	vld.idx.msk [tilespmem:v63+s4+$0x0], $0xffff;
	_ =	sdelay $0x2  }
0x17f: {  	v6 =	vor.u32 $0xC, v2  }
0x180: {  	v7 =	vadd.s32 $0xD00, v1  }
0x181: {  	v8 =	vld [tilespmem:$0x1FFA0];
	[tilespmem:v9+s12+$0x0] =	vst.idx.msk $0xffff, v10  }
0x182: {  	v9 =	vld [tilespmem:$0x1FFB0]  }
0x183: {  	v10 =	vld [tilespmem:$0x1FFC0]  }
0x184: {  	[tilespmem:v6+s12+$0x0] =	vst.idx.msk $0xffff, v5  }
0x185: {  	v5 =	vld.idx.msk [tilespmem:v7+s4+$0x0], $0xffff  }
0x186: {  	v7 =	vld [tilespmem:$0x1FFD0];
	_ =	sdelay $0x2  }
0x187: {  	v8 =	vld.idx.msk [tilespmem:v8+s4+$0x0], $0xffff  }
0x188: {  	v9 =	vld.idx.msk [tilespmem:v9+s4+$0x0], $0xffff  }
0x189: {  	v10 =	vld.idx.msk [tilespmem:v10+s4+$0x0], $0xffff;
	_ =	sdelay $0x2  }
0x18a: {  	v6 =	vor.u32 $0xD, v2;
	[tilespmem:v7+s12+$0x0] =	vst.idx.msk $0xffff, v8  }
0x18b: {  	v7 =	vadd.s32 $0xE00, v1;
	v8 =	vld.idx.msk [tilespmem:v53+s4+$0x0], $0xffff;
	[tilespmem:v31+s12+$0x0] =	vst.idx.msk $0xffff, v9  }
0x18c: {  	[tilespmem:v22+s12+$0x0] =	vst.idx.msk $0xffff, v10;
	v9 =	vld.idx.msk [tilespmem:v23+s4+$0x0], $0xffff  }
0x18d: {  	v10 =	vld.idx.msk [tilespmem:v32+s4+$0x0], $0xffff;
	_ =	sdelay $0x1  }
0x18e: {  	[tilespmem:v6+s12+$0x0] =	vst.idx.msk $0xffff, v5  }
0x18f: {  	v6 =	vor.u32 $0xE, v2;
	v5 =	vld.idx.msk [tilespmem:v7+s4+$0x0], $0xffff;
	[tilespmem:v54+s12+$0x0] =	vst.idx.msk $0xffff, v8  }
0x190: {  	v1 =	vadd.s32 $0xF00, v1;
	v7 =	vld.idx.msk [tilespmem:v52+s4+$0x0], $0xffff;
	[tilespmem:v18+s12+$0x0] =	vst.idx.msk $0xffff, v9  }
0x191: {  	[tilespmem:v21+s12+$0x0] =	vst.idx.msk $0xffff, v10;
	v8 =	vld.idx.msk [tilespmem:v26+s4+$0x0], $0xffff  }
0x192: {  	v9 =	vld.idx.msk [tilespmem:v34+s4+$0x0], $0xffff  }
0x193: {  	[tilespmem:v62+s12+$0x0] =	vst.idx.msk $0xffff, v4  }
0x194: {  	[tilespmem:v6+s12+$0x0] =	vst.idx.msk $0xffff, v5  }
0x195: {  	v2 =	vor.u32 $0xF, v2;
	v1 =	vld.idx.msk [tilespmem:v1+s4+$0x0], $0xffff;
	[tilespmem:v25+s12+$0x0] =	vst.idx.msk $0xffff, v7  }
0x196: {  	v4 =	vld.idx.msk [tilespmem:v17+s4+$0x0], $0xffff;
	[tilespmem:v20+s12+$0x0] =	vst.idx.msk $0xffff, v8  }
0x197: {  	[tilespmem:v11+s12+$0x0] =	vst.idx.msk $0xffff, v9;
	v5 =	vld.idx.msk [tilespmem:v15+s4+$0x0], $0xffff  }
0x198: {  	[tilespmem:v61+s12+$0x0] =	vst.idx.msk $0xffff, v3;
	v3 =	vld.idx.msk [tilespmem:v12+s4+$0x0], $0xffff  }
0x199: {  	[tilespmem:v60+s12+$0x0] =	vst.idx.msk $0xffff, v0  }
0x19a: {  	[tilespmem:v2+s12+$0x0] =	vst.idx.msk $0xffff, v1  }
0x19b: {  	[tilespmem:v49+s12+$0x0] =	vst.idx.msk $0xffff, v4  }
0x19c: {  	s20 =	sshll.u32 s19, $0x1;
	[tilespmem:v56+s12+$0x0] =	vst.idx.msk $0xffff, v5  }
0x19d: {  	p0 =	seq.s32 s18, $0x1F;
	s21 =	sadd.s32 s3, s20;
	[tilespmem:v55+s12+$0x0] =	vst.idx.msk $0xffff, v3  }
0x19e: {  	[hbm4b:s21+s4] =	stream.linear.scatter [tilespmem:s12], [sflag:$0x2], $0x8000, $0x38;
	[tilespmem:$0x12000] =	vst v63  }
0x19f: {  	s19 =	sshrl.u32 @!p0 s19, $0x3;
	p1 =	seq.s32 @!p0 s18, $0x0;
	_ =	swait.ge [sflag:s13], $0x800  }
0x1a0: {  	s22 =	simm.s32 @!p0 $0x1000;
	s19 =	sadd.s32 @!p0 s1, s19;
	[sflag:s13] =	ssyncset.done $0x0  }
0x1a1: {  	s19 =	sadd.s32 @!p0 $0x200, s19;
	s21 =	simm.s32 @!p0 $0x0;
	[sflag:s13] =	ssyncadd.s32 $0xFFFFF800  }
0x1a2: {  	[tilespmem:s22], [sflag:$0x1] =	stream.linear.gather @!p0 [hbm4b:s19+s21], $0x800, $0x38;
	[tilespmem:$0x12000] =	vst v63  }
0x1a3: {  	p0 =	por p0, !p1  }
0x1a4: {  	_ =	swait.ge @p0 [sflag:s16], $0x8000  }
0x1a5: {  	[sflag:s16] =	ssyncset.done @p0 $0x0  }
0x1a6: {  	s22 =	simm.s32 $0x1820;
	[sflag:s16] =	ssyncadd.s32 @p0 $0xFFFF8000  }
0x1a7: {  	v5 =	vld [tilespmem:s22+$0x10]  }
0x1a8: {  	v3 =	vld [tilespmem:s22+$0xFFFFFFF0]  }
0x1a9: {  	v4 =	vld [tilespmem:s22+$0x0];
	_ =	sdelay $0x2  }
0x1aa: {  	s23 =	simm.s32 $0x30;
	v7 =	vld [tilespmem:s22+$0xFFFFFFE0]  }
0x1ab: {  	s24 =	simm.s32 $0x10;
	v0 =	vmov s23  }
0x1ac: {  	s25 =	simm.s32 $0x20;
	v0 =	vshll.u32 v0, $0x4;
	v1 =	vmov s24  }
0x1ad: {  	v6 =	vor.u32 v59, v0;
	v2 =	vmov s25;
	v1 =	vshll.u32 v1, $0x4;
	v11 =	vld.idx.msk [tilespmem:v5+s4+$0x0], $0xffff  }
0x1ae: {  	v0 =	vshll.u32 v2, $0x4;
	v8 =	vor.u32 v59, v1;
	v1 =	vadd.s32 $0x100, v5;
	v2 =	vld.idx.msk [tilespmem:v3+s4+$0x0], $0xffff  }
0x1af: {  	s26 =	simm.s32 $0x0;
	v9 =	vor.u32 v59, v0;
	v12 =	vadd.s32 $0x100, v3;
	v0 =	vld.idx.msk [tilespmem:v4+s4+$0x0], $0xffff  }
0x1b0: {  	v10 =	vmov s26;
	v13 =	vadd.s32 $0x100, v4  }
0x1b1: {  	v10 =	vshll.u32 v10, $0x4  }
0x1b2: {  	v10 =	vor.u32 v59, v10;
	v14 =	vld.idx.msk [tilespmem:v7+s4+$0x0], $0xffff;
	[tilespmem:v6+s14+$0x0] =	vst.idx.msk $0xffff, v11  }
0x1b3: {  	v11 =	vadd.s32 $0x100, v7;
	[tilespmem:v8+s14+$0x0] =	vst.idx.msk $0xffff, v2;
	v2 =	vor.u32 $0x1, v6;
	v1 =	vld.idx.msk [tilespmem:v1+s4+$0x0], $0xffff  }
0x1b4: {  	v15 =	vor.u32 $0x1, v8;
	[tilespmem:v9+s14+$0x0] =	vst.idx.msk $0xffff, v0;
	v0 =	vadd.s32 $0x200, v5;
	v12 =	vld.idx.msk [tilespmem:v12+s4+$0x0], $0xffff  }
0x1b5: {  	v17 =	vor.u32 $0x1, v9;
	v16 =	vadd.s32 $0x200, v3;
	v13 =	vld.idx.msk [tilespmem:v13+s4+$0x0], $0xffff  }
0x1b6: {  	v18 =	vadd.s32 $0x200, v4  }
0x1b7: {  	[tilespmem:v10+s14+$0x0] =	vst.idx.msk $0xffff, v14  }
0x1b8: {  	v14 =	vor.u32 $0x1, v10;
	v11 =	vld.idx.msk [tilespmem:v11+s4+$0x0], $0xffff;
	[tilespmem:v2+s14+$0x0] =	vst.idx.msk $0xffff, v1  }
0x1b9: {  	v1 =	vadd.s32 $0x200, v7;
	[tilespmem:v15+s14+$0x0] =	vst.idx.msk $0xffff, v12;
	v2 =	vor.u32 $0x2, v6;
	v0 =	vld.idx.msk [tilespmem:v0+s4+$0x0], $0xffff  }
0x1ba: {  	v12 =	vor.u32 $0x2, v8;
	[tilespmem:v17+s14+$0x0] =	vst.idx.msk $0xffff, v13;
	v13 =	vadd.s32 $0x300, v5;
	v15 =	vld.idx.msk [tilespmem:v16+s4+$0x0], $0xffff  }
0x1bb: {  	v17 =	vadd.s32 $0x300, v3;
	v16 =	vor.u32 $0x2, v9;
	v18 =	vld.idx.msk [tilespmem:v18+s4+$0x0], $0xffff  }
0x1bc: {  	v19 =	vadd.s32 $0x300, v4  }
0x1bd: {  	[tilespmem:v14+s14+$0x0] =	vst.idx.msk $0xffff, v11  }
0x1be: {  	v11 =	vor.u32 $0x2, v10;
	v1 =	vld.idx.msk [tilespmem:v1+s4+$0x0], $0xffff;
	[tilespmem:v2+s14+$0x0] =	vst.idx.msk $0xffff, v0  }
0x1bf: {  	v0 =	vadd.s32 $0x300, v7;
	[tilespmem:v12+s14+$0x0] =	vst.idx.msk $0xffff, v15;
	v12 =	vor.u32 $0x3, v6;
	v2 =	vld.idx.msk [tilespmem:v13+s4+$0x0], $0xffff  }
0x1c0: {  	[tilespmem:v16+s14+$0x0] =	vst.idx.msk $0xffff, v18;
	v15 =	vadd.s32 $0x400, v5;
	v13 =	vor.u32 $0x3, v8;
	v14 =	vld.idx.msk [tilespmem:v17+s4+$0x0], $0xffff  }
0x1c1: {  	v16 =	vor.u32 $0x3, v9;
	v17 =	vadd.s32 $0x400, v3;
	v18 =	vld.idx.msk [tilespmem:v19+s4+$0x0], $0xffff  }
0x1c2: {  	v19 =	vadd.s32 $0x400, v4  }
0x1c3: {  	[tilespmem:v11+s14+$0x0] =	vst.idx.msk $0xffff, v1  }
0x1c4: {  	v1 =	vor.u32 $0x3, v10;
	v0 =	vld.idx.msk [tilespmem:v0+s4+$0x0], $0xffff;
	[tilespmem:v12+s14+$0x0] =	vst.idx.msk $0xffff, v2  }
0x1c5: {  	v2 =	vadd.s32 $0x400, v7;
	[tilespmem:v13+s14+$0x0] =	vst.idx.msk $0xffff, v14;
	v12 =	vor.u32 $0x4, v6;
	v11 =	vld.idx.msk [tilespmem:v15+s4+$0x0], $0xffff  }
0x1c6: {  	v13 =	vor.u32 $0x4, v8;
	[tilespmem:v16+s14+$0x0] =	vst.idx.msk $0xffff, v18;
	v14 =	vld.idx.msk [tilespmem:v17+s4+$0x0], $0xffff;
	v15 =	vadd.s32 $0x500, v5  }
0x1c7: {  	v16 =	vor.u32 $0x4, v9;
	v17 =	vadd.s32 $0x500, v3;
	v18 =	vld.idx.msk [tilespmem:v19+s4+$0x0], $0xffff  }
0x1c8: {  	v19 =	vadd.s32 $0x500, v4  }
0x1c9: {  	[tilespmem:v1+s14+$0x0] =	vst.idx.msk $0xffff, v0  }
0x1ca: {  	v0 =	vor.u32 $0x4, v10;
	v1 =	vld.idx.msk [tilespmem:v2+s4+$0x0], $0xffff;
	[tilespmem:v12+s14+$0x0] =	vst.idx.msk $0xffff, v11  }
0x1cb: {  	v2 =	vadd.s32 $0x500, v7;
	[tilespmem:v13+s14+$0x0] =	vst.idx.msk $0xffff, v14;
	v12 =	vor.u32 $0x5, v6;
	v11 =	vld.idx.msk [tilespmem:v15+s4+$0x0], $0xffff  }
0x1cc: {  	v13 =	vor.u32 $0x5, v8;
	[tilespmem:v16+s14+$0x0] =	vst.idx.msk $0xffff, v18;
	v14 =	vld.idx.msk [tilespmem:v17+s4+$0x0], $0xffff;
	v15 =	vadd.s32 $0x600, v5  }
0x1cd: {  	v16 =	vor.u32 $0x5, v9;
	v17 =	vadd.s32 $0x600, v3;
	v18 =	vld.idx.msk [tilespmem:v19+s4+$0x0], $0xffff  }
0x1ce: {  	v19 =	vadd.s32 $0x600, v4  }
0x1cf: {  	[tilespmem:v0+s14+$0x0] =	vst.idx.msk $0xffff, v1  }
0x1d0: {  	v0 =	vor.u32 $0x5, v10;
	v1 =	vld.idx.msk [tilespmem:v2+s4+$0x0], $0xffff;
	[tilespmem:v12+s14+$0x0] =	vst.idx.msk $0xffff, v11  }
0x1d1: {  	v2 =	vadd.s32 $0x600, v7;
	[tilespmem:v13+s14+$0x0] =	vst.idx.msk $0xffff, v14;
	v12 =	vor.u32 $0x6, v6;
	v11 =	vld.idx.msk [tilespmem:v15+s4+$0x0], $0xffff  }
0x1d2: {  	v13 =	vor.u32 $0x6, v8;
	[tilespmem:v16+s14+$0x0] =	vst.idx.msk $0xffff, v18;
	v14 =	vld.idx.msk [tilespmem:v17+s4+$0x0], $0xffff;
	v15 =	vadd.s32 $0x700, v5  }
0x1d3: {  	v16 =	vor.u32 $0x6, v9;
	v17 =	vadd.s32 $0x700, v3;
	v18 =	vld.idx.msk [tilespmem:v19+s4+$0x0], $0xffff  }
0x1d4: {  	v19 =	vadd.s32 $0x700, v4  }
0x1d5: {  	[tilespmem:v0+s14+$0x0] =	vst.idx.msk $0xffff, v1  }
0x1d6: {  	v0 =	vor.u32 $0x6, v10;
	v1 =	vld.idx.msk [tilespmem:v2+s4+$0x0], $0xffff;
	[tilespmem:v12+s14+$0x0] =	vst.idx.msk $0xffff, v11  }
0x1d7: {  	v2 =	vadd.s32 $0x700, v7;
	[tilespmem:v13+s14+$0x0] =	vst.idx.msk $0xffff, v14;
	v12 =	vor.u32 $0x7, v6;
	v11 =	vld.idx.msk [tilespmem:v15+s4+$0x0], $0xffff  }
0x1d8: {  	v13 =	vor.u32 $0x7, v8;
	[tilespmem:v16+s14+$0x0] =	vst.idx.msk $0xffff, v18;
	v14 =	vld.idx.msk [tilespmem:v17+s4+$0x0], $0xffff;
	v15 =	vadd.s32 $0x800, v5  }
0x1d9: {  	v16 =	vor.u32 $0x7, v9;
	v17 =	vadd.s32 $0x800, v3;
	v18 =	vld.idx.msk [tilespmem:v19+s4+$0x0], $0xffff  }
0x1da: {  	v19 =	vadd.s32 $0x800, v4  }
0x1db: {  	[tilespmem:v0+s14+$0x0] =	vst.idx.msk $0xffff, v1  }
0x1dc: {  	v0 =	vld.idx.msk [tilespmem:v2+s4+$0x0], $0xffff;
	[tilespmem:v12+s14+$0x0] =	vst.idx.msk $0xffff, v11  }
0x1dd: {  	[tilespmem:v13+s14+$0x0] =	vst.idx.msk $0xffff, v14;
	v14 =	vor.u32 $0x7, v10;
	v2 =	vld.idx.msk [tilespmem:v15+s4+$0x0], $0xffff  }
0x1de: {  	v11 =	vor.u32 $0x8, v6;
	[tilespmem:v16+s14+$0x0] =	vst.idx.msk $0xffff, v18;
	v12 =	vld.idx.msk [tilespmem:v17+s4+$0x0], $0xffff  }
0x1df: {  	s28 =	simm.s32 $0x1860;
	v18 =	vadd.s32 $0x800, v7;
	v17 =	vld.idx.msk [tilespmem:v19+s4+$0x0], $0xffff;
	v19 =	vor.u32 $0x8, v8  }
0x1e0: {  	v24 =	vld [tilespmem:s28+$0xFFFFFFE0];
	v13 =	vadd.s32 $0x900, v5  }
0x1e1: {  	v20 =	vor.u32 $0x8, v9;
	v21 =	vadd.s32 $0x900, v3;
	v1 =	vld [tilespmem:s28+$0x10]  }
0x1e2: {  	v15 =	vld [tilespmem:s28+$0xFFFFFFF0];
	[tilespmem:v14+s14+$0x0] =	vst.idx.msk $0xffff, v0  }
0x1e3: {  	v22 =	vadd.s32 $0x900, v4;
	v16 =	vld [tilespmem:s28+$0x0];
	[tilespmem:v11+s14+$0x0] =	vst.idx.msk $0xffff, v2  }
0x1e4: {  	v14 =	vor.u32 $0x8, v10;
	[tilespmem:v19+s14+$0x0] =	vst.idx.msk $0xffff, v12;
	v12 =	vld.idx.msk [tilespmem:v18+s4+$0x0], $0xffff  }
0x1e5: {  	v0 =	vor.u32 $0x9, v6;
	v11 =	vld.idx.msk [tilespmem:v13+s4+$0x0], $0xffff  }
0x1e6: {  	s29 =	simm.s32 $0x70;
	v18 =	vadd.s32 $0x900, v7;
	[tilespmem:v20+s14+$0x0] =	vst.idx.msk $0xffff, v17;
	v19 =	vor.u32 $0x9, v8;
	v17 =	vld.idx.msk [tilespmem:v21+s4+$0x0], $0xffff  }
0x1e7: {  	s30 =	simm.s32 $0x50;
	v2 =	vmov s29;
	v13 =	vadd.s32 $0xA00, v5  }
0x1e8: {  	v23 =	vmov s30;
	v20 =	vor.u32 $0x9, v9;
	v21 =	vld.idx.msk [tilespmem:v22+s4+$0x0], $0xffff;
	v2 =	vshll.u32 v2, $0x4  }
0x1e9: {  	v23 =	vshll.u32 v23, $0x4;
	s19 =	simm.s32 $0x40;
	v25 =	vld.idx.msk [tilespmem:v1+s4+$0x0], $0xffff;
	v2 =	vor.u32 v59, v2;
	[tilespmem:v14+s14+$0x0] =	vst.idx.msk $0xffff, v12  }
0x1ea: {  	s31 =	simm.s32 $0x60;
	v49 =	vor.u32 v59, v23;
	v26 =	vmov s19;
	v22 =	vadd.s32 $0xA00, v3;
	v27 =	vld.idx.msk [tilespmem:v15+s4+$0x0], $0xffff;
	[tilespmem:v0+s14+$0x0] =	vst.idx.msk $0xffff, v11  }
0x1eb: {  	v23 =	vadd.s32 $0x100, v15;
	v0 =	vmov s31;
	[tilespmem:v19+s14+$0x0] =	vst.idx.msk $0xffff, v17;
	v18 =	vld.idx.msk [tilespmem:v18+s4+$0x0], $0xffff;
	v19 =	vor.u32 $0x9, v10  }
0x1ec: {  	v12 =	vor.u32 $0xA, v6;
	v11 =	vadd.s32 $0x100, v1;
	v13 =	vld.idx.msk [tilespmem:v13+s4+$0x0], $0xffff;
	v0 =	vshll.u32 v0, $0x4  }
0x1ed: {  	v28 =	vld.idx.msk [tilespmem:v16+s4+$0x0], $0xffff;
	v14 =	vshll.u32 v26, $0x4;
	v17 =	vadd.s32 $0xB00, v5;
	[tilespmem:v20+s14+$0x0] =	vst.idx.msk $0xffff, v21;
	v50 =	vor.u32 v59, v0  }
0x1ee: {  	v51 =	vor.u32 v59, v14;
	v14 =	vadd.s32 $0x100, v16;
	[tilespmem:v2+s14+$0x0] =	vst.idx.msk $0xffff, v25;
	v0 =	vld.idx.msk [tilespmem:v24+s4+$0x0], $0xffff  }
0x1ef: {  	v21 =	vld.idx.msk [tilespmem:v22+s4+$0x0], $0xffff;
	v22 =	vadd.s32 $0xA00, v7;
	[tilespmem:v49+s14+$0x0] =	vst.idx.msk $0xffff, v27  }
0x1f0: {  	v20 =	vadd.s32 $0x100, v24;
	v25 =	vor.u32 $0xA, v8;
	v23 =	vld.idx.msk [tilespmem:v23+s4+$0x0], $0xffff;
	[tilespmem:v19+s14+$0x0] =	vst.idx.msk $0xffff, v18  }
0x1f1: {  	v26 =	vadd.s32 $0xA00, v4;
	v27 =	vor.u32 $0x1, v2;
	v11 =	vld.idx.msk [tilespmem:v11+s4+$0x0], $0xffff;
	[tilespmem:v12+s14+$0x0] =	vst.idx.msk $0xffff, v13  }
0x1f2: {  	v12 =	vor.u32 $0x1, v49;
	v13 =	vadd.s32 $0x200, v1;
	[tilespmem:v50+s14+$0x0] =	vst.idx.msk $0xffff, v28;
	v17 =	vld.idx.msk [tilespmem:v17+s4+$0x0], $0xffff  }
0x1f3: {  	v28 =	vadd.s32 $0x200, v15;
	[tilespmem:v51+s14+$0x0] =	vst.idx.msk $0xffff, v0;
	v0 =	vld.idx.msk [tilespmem:v14+s4+$0x0], $0xffff;
	v14 =	vor.u32 $0xB, v6  }
0x1f4: {  	v29 =	vor.u32 $0x1, v50;
	v22 =	vld.idx.msk [tilespmem:v22+s4+$0x0], $0xffff  }
0x1f5: {  	v18 =	vadd.s32 $0xC00, v5;
	v19 =	vor.u32 $0x1, v51;
	[tilespmem:v25+s14+$0x0] =	vst.idx.msk $0xffff, v21;
	v20 =	vld.idx.msk [tilespmem:v20+s4+$0x0], $0xffff  }
0x1f6: {  	v30 =	vadd.s32 $0x200, v16;
	v21 =	vor.u32 $0xA, v10;
	[tilespmem:v27+s14+$0x0] =	vst.idx.msk $0xffff, v11;
	v11 =	vld.idx.msk [tilespmem:v26+s4+$0x0], $0xffff  }
0x1f7: {  	v25 =	vadd.s32 $0x200, v24;
	v26 =	vor.u32 $0xA, v9;
	[tilespmem:v12+s14+$0x0] =	vst.idx.msk $0xffff, v23;
	v12 =	vld.idx.msk [tilespmem:v13+s4+$0x0], $0xffff  }
0x1f8: {  	v27 =	vadd.s32 $0xB00, v7;
	v23 =	vld.idx.msk [tilespmem:v28+s4+$0x0], $0xffff;
	v28 =	vor.u32 $0x2, v2;
	[tilespmem:v14+s14+$0x0] =	vst.idx.msk $0xffff, v17  }
0x1f9: {  	v13 =	vadd.s32 $0xB00, v3;
	v14 =	vor.u32 $0x2, v49;
	[tilespmem:v29+s14+$0x0] =	vst.idx.msk $0xffff, v0  }
0x1fa: {  	v0 =	vadd.s32 $0x300, v1;
	[tilespmem:v19+s14+$0x0] =	vst.idx.msk $0xffff, v20;
	v20 =	vor.u32 $0xC, v6;
	v17 =	vld.idx.msk [tilespmem:v18+s4+$0x0], $0xffff  }
0x1fb: {  	[tilespmem:v21+s14+$0x0] =	vst.idx.msk $0xffff, v22;
	v29 =	vor.u32 $0x2, v50;
	v18 =	vadd.s32 $0x300, v15;
	v19 =	vld.idx.msk [tilespmem:v30+s4+$0x0], $0xffff  }
0x1fc: {  	v21 =	vadd.s32 $0xD00, v5;
	v25 =	vld.idx.msk [tilespmem:v25+s4+$0x0], $0xffff;
	v30 =	vor.u32 $0x2, v51;
	[tilespmem:v26+s14+$0x0] =	vst.idx.msk $0xffff, v11  }
0x1fd: {  	v31 =	vadd.s32 $0x300, v16;
	v27 =	vld.idx.msk [tilespmem:v27+s4+$0x0], $0xffff;
	v11 =	vor.u32 $0xB, v10;
	[tilespmem:v28+s14+$0x0] =	vst.idx.msk $0xffff, v12  }
0x1fe: {  	v57 =	vadd.s32 $0x300, v24;
	v26 =	vor.u32 $0xB, v8;
	v12 =	vld.idx.msk [tilespmem:v13+s4+$0x0], $0xffff;
	[tilespmem:v14+s14+$0x0] =	vst.idx.msk $0xffff, v23  }
0x1ff: {  	v58 =	vor.u32 $0x3, v2;
	v22 =	vadd.s32 $0xB00, v4;
	v0 =	vld.idx.msk [tilespmem:v0+s4+$0x0], $0xffff;
	[tilespmem:v20+s14+$0x0] =	vst.idx.msk $0xffff, v17  }
0x200: {  	v28 =	vadd.s32 $0xC00, v7;
	v18 =	vld.idx.msk [tilespmem:v18+s4+$0x0], $0xffff;
	v20 =	vor.u32 $0x3, v49;
	[tilespmem:v29+s14+$0x0] =	vst.idx.msk $0xffff, v19  }
0x201: {  	v19 =	vadd.s32 $0x400, v1;
	[tilespmem:v30+s14+$0x0] =	vst.idx.msk $0xffff, v25;
	v30 =	vor.u32 $0xD, v6;
	v21 =	vld.idx.msk [tilespmem:v21+s4+$0x0], $0xffff  }
0x202: {  	v60 =	vadd.s32 $0x400, v15;
	v61 =	vor.u32 $0x3, v50;
	v25 =	vld.idx.msk [tilespmem:v31+s4+$0x0], $0xffff;
	[tilespmem:v11+s14+$0x0] =	vst.idx.msk $0xffff, v27  }
0x203: {  	v32 =	vld.idx.msk [tilespmem:v57+s4+$0x0], $0xffff;
	v11 =	vadd.s32 $0xE00, v5;
	[tilespmem:v26+s14+$0x0] =	vst.idx.msk $0xffff, v12  }
0x204: {  	v62 =	vor.u32 $0x3, v51;
	v12 =	vld.idx.msk [tilespmem:v22+s4+$0x0], $0xffff;
	[tilespmem:v58+s14+$0x0] =	vst.idx.msk $0xffff, v0  }
0x205: {  	v63 =	vadd.s32 $0x400, v16;
	v13 =	vor.u32 $0xB, v9;
	v28 =	vld.idx.msk [tilespmem:v28+s4+$0x0], $0xffff;
	[tilespmem:v20+s14+$0x0] =	vst.idx.msk $0xffff, v18  }
0x206: {  	v33 =	vadd.s32 $0xC00, v3;
	v17 =	vor.u32 $0xC, v10;
	v18 =	vld.idx.msk [tilespmem:v19+s4+$0x0], $0xffff;
	[tilespmem:v30+s14+$0x0] =	vst.idx.msk $0xffff, v21  }
0x207: {  	v44 =	vadd.s32 $0x400, v24;
	v45 =	vor.u32 $0x4, v2;
	v0 =	vor.u32 $0xE, v9;
	v35 =	vld.idx.msk [tilespmem:v60+s4+$0x0], $0xffff;
	[tilespmem:v61+s14+$0x0] =	vst.idx.msk $0xffff, v25  }
0x208: {  	v31 =	vadd.s32 $0xD00, v7;
	v30 =	vor.u32 $0x4, v49;
	v11 =	vld.idx.msk [tilespmem:v11+s4+$0x0], $0xffff;
	[tilespmem:$0x1FD80] =	vst v0  }
0x209: {  	v48 =	vor.u32 $0xE, v6;
	v34 =	vor.u32 $0xD, v10;
	v23 =	vadd.s32 $0xC00, v4;
	[tilespmem:v62+s14+$0x0] =	vst.idx.msk $0xffff, v32  }
0x20a: {  	v52 =	vor.u32 $0xD, v9;
	v55 =	vor.u32 $0x4, v50;
	v25 =	vadd.s32 $0x500, v1;
	v47 =	vld.idx.msk [tilespmem:v63+s4+$0x0], $0xffff;
	[tilespmem:v13+s14+$0x0] =	vst.idx.msk $0xffff, v12  }
0x20b: {  	v46 =	vadd.s32 $0x500, v15;
	v14 =	vor.u32 $0xC, v8;
	v29 =	vor.u32 $0xC, v9;
	[tilespmem:v17+s14+$0x0] =	vst.idx.msk $0xffff, v28;
	v17 =	vld.idx.msk [tilespmem:v33+s4+$0x0], $0xffff  }
0x20c: {  	v27 =	vadd.s32 $0xD00, v3;
	v5 =	vadd.s32 $0xF00, v5;
	v12 =	vor.u32 $0x4, v51;
	v39 =	vld.idx.msk [tilespmem:v44+s4+$0x0], $0xffff;
	[tilespmem:v45+s14+$0x0] =	vst.idx.msk $0xffff, v18  }
0x20d: {  	v57 =	vadd.s32 $0xF00, v4;
	v22 =	vor.u32 $0xD, v8;
	v13 =	vadd.s32 $0x500, v16;
	v31 =	vld.idx.msk [tilespmem:v31+s4+$0x0], $0xffff;
	[tilespmem:v30+s14+$0x0] =	vst.idx.msk $0xffff, v35  }
0x20e: {  	v26 =	vadd.s32 $0xD00, v4;
	v21 =	vadd.s32 $0xE00, v4;
	v4 =	vadd.s32 $0x500, v24;
	v18 =	vld.idx.msk [tilespmem:v23+s4+$0x0], $0xffff;
	[tilespmem:v48+s14+$0x0] =	vst.idx.msk $0xffff, v11  }
0x20f: {  	v20 =	vor.u32 $0xE, v8;
	v61 =	vor.u32 $0xF, v8;
	v8 =	vld.idx.msk [tilespmem:v25+s4+$0x0], $0xffff;
	v25 =	vor.u32 $0x5, v2;
	[tilespmem:v55+s14+$0x0] =	vst.idx.msk $0xffff, v47  }
0x210: {  	v60 =	vor.u32 $0xF, v9;
	v9 =	vor.u32 $0x5, v49;
	v30 =	vadd.s32 $0x600, v1;
	v23 =	vld.idx.msk [tilespmem:v46+s4+$0x0], $0xffff;
	[tilespmem:v14+s14+$0x0] =	vst.idx.msk $0xffff, v17  }
0x211: {  	v6 =	vor.u32 $0xF, v6;
	v63 =	vadd.s32 $0x600, v15;
	v5 =	vld.idx.msk [tilespmem:v5+s4+$0x0], $0xffff;
	[tilespmem:v12+s14+$0x0] =	vst.idx.msk $0xffff, v39  }
0x212: {  	v54 =	vor.u32 $0xE, v10;
	v62 =	vor.u32 $0xF, v10;
	v10 =	vor.u32 $0x5, v50;
	v12 =	vld.idx.msk [tilespmem:v13+s4+$0x0], $0xffff;
	[tilespmem:v34+s14+$0x0] =	vst.idx.msk $0xffff, v31  }
0x213: {  	v11 =	vor.u32 $0x5, v51;
	v13 =	vadd.s32 $0x600, v16;
	v4 =	vld.idx.msk [tilespmem:v4+s4+$0x0], $0xffff;
	[tilespmem:v29+s14+$0x0] =	vst.idx.msk $0xffff, v18  }
0x214: {  	v28 =	vadd.s32 $0x600, v24;
	[tilespmem:v25+s14+$0x0] =	vst.idx.msk $0xffff, v8;
	v8 =	vld.idx.msk [tilespmem:v27+s4+$0x0], $0xffff  }
0x215: {  	[tilespmem:v9+s14+$0x0] =	vst.idx.msk $0xffff, v23;
	v9 =	vld.idx.msk [tilespmem:v30+s4+$0x0], $0xffff  }
0x216: {  	v53 =	vadd.s32 $0xE00, v7;
	v23 =	vld.idx.msk [tilespmem:v63+s4+$0x0], $0xffff;
	[tilespmem:v6+s14+$0x0] =	vst.idx.msk $0xffff, v5  }
0x217: {  	v6 =	vld.idx.msk [tilespmem:v26+s4+$0x0], $0xffff;
	[tilespmem:v10+s14+$0x0] =	vst.idx.msk $0xffff, v12  }
0x218: {  	v25 =	vor.u32 $0x6, v2;
	[tilespmem:v11+s14+$0x0] =	vst.idx.msk $0xffff, v4;
	v4 =	vld.idx.msk [tilespmem:v13+s4+$0x0], $0xffff;
	v11 =	vor.u32 $0xA, v51  }
0x219: {  	v19 =	vadd.s32 $0xE00, v3;
	v10 =	vld.idx.msk [tilespmem:v28+s4+$0x0], $0xffff;
	[tilespmem:$0x1FCD0] =	vst v11  }
0x21a: {  	[tilespmem:v22+s14+$0x0] =	vst.idx.msk $0xffff, v8;
	v8 =	vor.u32 $0xA, v50  }
0x21b: {  	v55 =	vor.u32 $0x6, v49;
	v11 =	vld.idx.msk [tilespmem:v53+s4+$0x0], $0xffff;
	[tilespmem:$0x1FCE0] =	vst v8;
	v8 =	vadd.s32 $0xB00, v24  }
0x21c: {  	v5 =	vadd.s32 $0x700, v1;
	[tilespmem:$0x1FCF0] =	vst v8  }
0x21d: {  	[tilespmem:v25+s14+$0x0] =	vst.idx.msk $0xffff, v9;
	v9 =	vadd.s32 $0xB00, v15  }
0x21e: {  	v8 =	vld.idx.msk [tilespmem:v19+s4+$0x0], $0xffff;
	[tilespmem:$0x1FD00] =	vst v9;
	v9 =	vor.u32 $0xB, v51  }
0x21f: {  	v17 =	vadd.s32 $0x700, v15;
	[tilespmem:$0x1FD10] =	vst v9  }
0x220: {  	v9 =	vor.u32 $0xB, v49;
	[tilespmem:v55+s14+$0x0] =	vst.idx.msk $0xffff, v23  }
0x221: {  	v58 =	vor.u32 $0x6, v50;
	v5 =	vld.idx.msk [tilespmem:v5+s4+$0x0], $0xffff;
	[tilespmem:$0x1FD20] =	vst v9;
	v9 =	vor.u32 $0xB, v50  }
0x222: {  	[tilespmem:$0x1FD30] =	vst v9  }
0x223: {  	[tilespmem:v52+s14+$0x0] =	vst.idx.msk $0xffff, v6;
	v6 =	vadd.s32 $0xC00, v24  }
0x224: {  	v56 =	vor.u32 $0x6, v51;
	v9 =	vld.idx.msk [tilespmem:v17+s4+$0x0], $0xffff;
	[tilespmem:$0x1FD40] =	vst v6;
	v6 =	vadd.s32 $0xC00, v15  }
0x225: {  	[tilespmem:$0x1FD50] =	vst v6  }
0x226: {  	[tilespmem:v58+s14+$0x0] =	vst.idx.msk $0xffff, v4;
	v4 =	vadd.s32 $0xC00, v16  }
0x227: {  	v12 =	vor.u32 $0x7, v2;
	v13 =	vld.idx.msk [tilespmem:v21+s4+$0x0], $0xffff;
	[tilespmem:$0x1FD60] =	vst v4;
	v4 =	vor.u32 $0xC, v51  }
0x228: {  	v42 =	vor.u32 $0x9, v49;
	v0 =	vor.u32 $0x7, v49;
	[tilespmem:$0x1FD70] =	vst v4  }
0x229: {  	v38 =	vor.u32 $0xA, v49;
	v36 =	vadd.s32 $0xA00, v16;
	v43 =	vadd.s32 $0xA00, v15;
	[tilespmem:v56+s14+$0x0] =	vst.idx.msk $0xffff, v10  }
0x22a: {  	v40 =	vor.u32 $0x8, v51;
	v37 =	vor.u32 $0x9, v51;
	v41 =	vor.u32 $0x9, v50;
	[tilespmem:v54+s14+$0x0] =	vst.idx.msk $0xffff, v11  }
0x22b: {  	v7 =	vadd.s32 $0xF00, v7;
	v3 =	vadd.s32 $0xF00, v3;
	v18 =	vadd.s32 $0x700, v16;
	[tilespmem:v20+s14+$0x0] =	vst.idx.msk $0xffff, v8  }
0x22c: {  	v33 =	vadd.s32 $0x800, v15;
	v32 =	vadd.s32 $0xD00, v16;
	v14 =	vadd.s32 $0x700, v24;
	[tilespmem:v12+s14+$0x0] =	vst.idx.msk $0xffff, v5  }
0x22d: {  	v44 =	vadd.s32 $0x800, v24;
	v45 =	vadd.s32 $0x900, v16;
	v35 =	vadd.s32 $0xA00, v24;
	[tilespmem:v0+s14+$0x0] =	vst.idx.msk $0xffff, v9  }
0x22e: {  	v46 =	vor.u32 $0x8, v49;
	v48 =	vor.u32 $0x8, v50;
	v47 =	vadd.s32 $0x900, v15;
	v0 =	vld [tilespmem:$0x1FD80]  }
0x22f: {  	v39 =	vadd.s32 $0x900, v24;
	v31 =	vor.u32 $0xC, v49;
	v6 =	vadd.s32 $0x800, v1  }
0x230: {  	v34 =	vadd.s32 $0xE00, v16;
	v29 =	vor.u32 $0x7, v51;
	v27 =	vor.u32 $0x7, v50;
	v10 =	vld.idx.msk [tilespmem:v18+s4+$0x0], $0xffff  }
0x231: {  	v30 =	vadd.s32 $0x800, v16;
	v63 =	vadd.s32 $0xB00, v16;
	v26 =	vadd.s32 $0xE00, v15;
	v14 =	vld.idx.msk [tilespmem:v14+s4+$0x0], $0xffff  }
0x232: {  	v22 =	vor.u32 $0xC, v50;
	v53 =	vadd.s32 $0xD00, v24;
	v25 =	vor.u32 $0xE, v51;
	v4 =	vld.idx.msk [tilespmem:v7+s4+$0x0], $0xffff  }
0x233: {  	v23 =	vadd.s32 $0xD00, v15;
	v55 =	vor.u32 $0xF, v50;
	v52 =	vadd.s32 $0xE00, v24;
	v3 =	vld.idx.msk [tilespmem:v3+s4+$0x0], $0xffff  }
0x234: {  	v17 =	vadd.s32 $0xF00, v24;
	v15 =	vadd.s32 $0xF00, v15;
	v21 =	vor.u32 $0xD, v50;
	v5 =	vld.idx.msk [tilespmem:v6+s4+$0x0], $0xffff  }
0x235: {  	v18 =	vor.u32 $0xD, v49;
	v54 =	vor.u32 $0xD, v51;
	v20 =	vor.u32 $0xE, v49;
	v6 =	vld.idx.msk [tilespmem:v33+s4+$0x0], $0xffff;
	[tilespmem:v27+s14+$0x0] =	vst.idx.msk $0xffff, v10  }
0x236: {  	v11 =	vor.u32 $0xE, v50;
	v12 =	vadd.s32 $0xF00, v16;
	v56 =	vor.u32 $0xF, v49;
	v7 =	vld.idx.msk [tilespmem:v30+s4+$0x0], $0xffff;
	[tilespmem:v0+s14+$0x0] =	vst.idx.msk $0xffff, v13  }
0x237: {  	s21 =	simm.s32 $0x4;
	s22 =	simm.s32 $0x18A0;
	v49 =	vor.u32 $0xF, v51;
	v8 =	vor.u32 $0x8, v2;
	v9 =	vadd.s32 $0x900, v1;
	[tilespmem:v29+s14+$0x0] =	vst.idx.msk $0xffff, v14;
	v0 =	vld.idx.msk [tilespmem:v57+s4+$0x0], $0xffff  }
.LBB2_5:
0x238: {  	_ =	sdelay $0x1  }
0x239: {  	[tilespmem:$0x1FB90] =	vst v52  }
0x23a: {  	[tilespmem:$0x1FCA0] =	vst v12  }
0x23b: {  	v52 =	vld [tilespmem:s22+$0x10];
	[tilespmem:v8+s14+$0x0] =	vst.idx.msk $0xffff, v5  }
0x23c: {  	[tilespmem:v62+s14+$0x0] =	vst.idx.msk $0xffff, v4  }
0x23d: {  	v4 =	vmov v49;
	v49 =	vld [tilespmem:s22+$0xFFFFFFF0];
	[tilespmem:v61+s14+$0x0] =	vst.idx.msk $0xffff, v3  }
0x23e: {  	v50 =	vld [tilespmem:s22+$0x0];
	[tilespmem:v60+s14+$0x0] =	vst.idx.msk $0xffff, v0  }
0x23f: {  	v3 =	vmov v56;
	[tilespmem:$0x1FBE0] =	vst v4  }
0x240: {  	s19 =	sadd.s32 $0x40, s19;
	v0 =	vmov v55;
	[tilespmem:$0x1FB60] =	vst v3;
	v3 =	vld.idx.msk [tilespmem:v9+s4+$0x0], $0xffff;
	v4 =	vor.u32 $0x9, v2  }
0x241: {  	v5 =	vadd.s32 $0xA00, v1;
	s25 =	sadd.s32 $0x30, s19;
	[tilespmem:$0x1FB30] =	vst v0;
	v0 =	vld.idx.msk [tilespmem:v44+s4+$0x0], $0xffff  }
0x242: {  	v12 =	vmov s25;
	[tilespmem:v46+s14+$0x0] =	vst.idx.msk $0xffff, v6  }
0x243: {  	v12 =	vshll.u32 v12, $0x4;
	v8 =	vld.idx.msk [tilespmem:v47+s4+$0x0], $0xffff  }
0x244: {  	[tilespmem:$0x1FB40] =	vst v53;
	v53 =	vor.u32 v59, v12;
	v14 =	vld.idx.msk [tilespmem:v52+s4+$0x0], $0xffff  }
0x245: {  	v51 =	vld [tilespmem:s22+$0xFFFFFFE0];
	[tilespmem:v4+s14+$0x0] =	vst.idx.msk $0xffff, v3;
	v3 =	vadd.s32 $0x100, v52  }
0x246: {  	s23 =	sadd.s32 $0x10, s19;
	[tilespmem:v40+s14+$0x0] =	vst.idx.msk $0xffff, v0;
	v0 =	vor.u32 $0xA, v2;
	v4 =	vld.idx.msk [tilespmem:v5+s4+$0x0], $0xffff  }
0x247: {  	[tilespmem:$0x1FB80] =	vst v54;
	v9 =	vmov s23  }
0x248: {  	v9 =	vshll.u32 v9, $0x4;
	v16 =	vld.idx.msk [tilespmem:v49+s4+$0x0], $0xffff;
	[tilespmem:v42+s14+$0x0] =	vst.idx.msk $0xffff, v8  }
0x249: {  	v56 =	vor.u32 v59, v9;
	v8 =	vadd.s32 $0xB00, v1;
	[tilespmem:v53+s14+$0x0] =	vst.idx.msk $0xffff, v14  }
0x24a: {  	[tilespmem:v48+s14+$0x0] =	vst.idx.msk $0xffff, v7;
	v62 =	vor.u32 $0x1, v53;
	v7 =	vadd.s32 $0x100, v49;
	v3 =	vld.idx.msk [tilespmem:v3+s4+$0x0], $0xffff  }
0x24b: {  	v61 =	vld.idx.msk [tilespmem:v43+s4+$0x0], $0xffff;
	[tilespmem:v0+s14+$0x0] =	vst.idx.msk $0xffff, v4;
	v0 =	vadd.s32 $0x200, v52  }
0x24c: {  	[tilespmem:$0x1FC50] =	vst v15  }
0x24d: {  	[tilespmem:$0x1FC80] =	vst v11  }
0x24e: {  	s24 =	sadd.s32 $0x20, s19;
	v6 =	vmov s19;
	[tilespmem:v56+s14+$0x0] =	vst.idx.msk $0xffff, v16;
	v4 =	vld.idx.msk [tilespmem:v8+s4+$0x0], $0xffff  }
0x24f: {  	v11 =	vmov s24;
	v6 =	vshll.u32 v6, $0x4;
	v7 =	vld.idx.msk [tilespmem:v7+s4+$0x0], $0xffff;
	[tilespmem:v62+s14+$0x0] =	vst.idx.msk $0xffff, v3  }
0x250: {  	v11 =	vshll.u32 v11, $0x4;
	v54 =	vor.u32 v59, v6;
	[tilespmem:v38+s14+$0x0] =	vst.idx.msk $0xffff, v61;
	v38 =	vld.idx.msk [tilespmem:v0+s4+$0x0], $0xffff;
	v0 =	vor.u32 $0x6, v56  }
0x251: {  	v55 =	vor.u32 v59, v11;
	v9 =	vld.idx.msk [tilespmem:v51+s4+$0x0], $0xffff;
	[tilespmem:$0x1FBC0] =	vst v0;
	v0 =	vor.u32 $0x6, v54  }
0x252: {  	v15 =	vadd.s32 $0x100, v51;
	v12 =	vld.idx.msk [tilespmem:v39+s4+$0x0], $0xffff;
	[tilespmem:$0x1FC00] =	vst v0;
	v0 =	vor.u32 $0x6, v55  }
0x253: {  	[tilespmem:$0x1FBF0] =	vst v0;
	v0 =	vadd.s32 $0x700, v51  }
0x254: {  	[tilespmem:$0x1FC10] =	vst v0;
	v0 =	vor.u32 $0x7, v56  }
0x255: {  	[tilespmem:$0x1FC60] =	vst v0;
	v0 =	vld [tilespmem:$0x1FCD0]  }
0x256: {  	[tilespmem:v54+s14+$0x0] =	vst.idx.msk $0xffff, v9  }
0x257: {  	v42 =	vor.u32 $0x1, v54;
	v58 =	vld.idx.msk [tilespmem:v15+s4+$0x0], $0xffff;
	[tilespmem:v37+s14+$0x0] =	vst.idx.msk $0xffff, v12  }
0x258: {  	v44 =	vadd.s32 $0x200, v51;
	v35 =	vld.idx.msk [tilespmem:v35+s4+$0x0], $0xffff;
	_ =	sdelay $0x3  }
0x259: {  	[tilespmem:v42+s14+$0x0] =	vst.idx.msk $0xffff, v58  }
0x25a: {  	v30 =	vld.idx.msk [tilespmem:v44+s4+$0x0], $0xffff;
	[tilespmem:v0+s14+$0x0] =	vst.idx.msk $0xffff, v35;
	v0 =	vor.u32 $0x7, v54  }
0x25b: {  	[tilespmem:$0x1FCB0] =	vst v0;
	v0 =	vor.u32 $0x7, v55  }
0x25c: {  	[tilespmem:$0x1FC90] =	vst v0;
	v0 =	vld [tilespmem:$0x1FCF0];
	_ =	sdelay $0x3  }
0x25d: {  	v13 =	vld.idx.msk [tilespmem:v45+s4+$0x0], $0xffff  }
0x25e: {  	v5 =	vld.idx.msk [tilespmem:v50+s4+$0x0], $0xffff  }
0x25f: {  	v6 =	vadd.s32 $0x100, v50;
	_ =	sdelay $0x1  }
0x260: {  	v62 =	vld.idx.msk [tilespmem:v0+s4+$0x0], $0xffff  }
0x261: {  	[tilespmem:v41+s14+$0x0] =	vst.idx.msk $0xffff, v13;
	v0 =	vld [tilespmem:$0x1FCE0]  }
0x262: {  	[tilespmem:v55+s14+$0x0] =	vst.idx.msk $0xffff, v5  }
0x263: {  	v40 =	vor.u32 $0x1, v55;
	v48 =	vld.idx.msk [tilespmem:v6+s4+$0x0], $0xffff  }
0x264: {  	v45 =	vadd.s32 $0x200, v50;
	v36 =	vld.idx.msk [tilespmem:v36+s4+$0x0], $0xffff;
	_ =	sdelay $0x3  }
0x265: {  	[tilespmem:v40+s14+$0x0] =	vst.idx.msk $0xffff, v48  }
0x266: {  	v11 =	vor.u32 $0x1, v56;
	v29 =	vld.idx.msk [tilespmem:v45+s4+$0x0], $0xffff;
	[tilespmem:v0+s14+$0x0] =	vst.idx.msk $0xffff, v36;
	v0 =	vadd.s32 $0x800, v49  }
0x267: {  	v10 =	vadd.s32 $0x200, v49;
	[tilespmem:$0x1FC70] =	vst v0;
	v0 =	vadd.s32 $0x800, v50  }
0x268: {  	[tilespmem:$0x1FCC0] =	vst v0;
	v0 =	vld [tilespmem:$0x1FD00]  }
0x269: {  	v57 =	vor.u32 $0xB, v2  }
0x26a: {  	v60 =	vor.u32 $0x2, v53;
	v59 =	vadd.s32 $0xC00, v1  }
0x26b: {  	[tilespmem:v11+s14+$0x0] =	vst.idx.msk $0xffff, v7  }
0x26c: {  	v28 =	vadd.s32 $0x300, v52;
	v41 =	vor.u32 $0x2, v56;
	v27 =	vld.idx.msk [tilespmem:v10+s4+$0x0], $0xffff  }
0x26d: {  	[tilespmem:$0x1FB50] =	vst v22  }
0x26e: {  	[tilespmem:v57+s14+$0x0] =	vst.idx.msk $0xffff, v4  }
0x26f: {  	v61 =	vor.u32 $0xC, v2;
	v3 =	vor.u32 $0xA, v54;
	v37 =	vld.idx.msk [tilespmem:v59+s4+$0x0], $0xffff;
	[tilespmem:v60+s14+$0x0] =	vst.idx.msk $0xffff, v38  }
0x270: {  	v33 =	vadd.s32 $0xD00, v1;
	v22 =	vor.u32 $0x2, v55;
	[tilespmem:$0x1FCD0] =	vst v3;
	v60 =	vld.idx.msk [tilespmem:v0+s4+$0x0], $0xffff  }
0x271: {  	v59 =	vor.u32 $0x3, v53;
	v3 =	vor.u32 $0xA, v55;
	[tilespmem:v41+s14+$0x0] =	vst.idx.msk $0xffff, v27;
	v27 =	vld.idx.msk [tilespmem:v28+s4+$0x0], $0xffff  }
0x272: {  	[tilespmem:$0x1FCE0] =	vst v3;
	v3 =	vld [tilespmem:$0x1FD20]  }
0x273: {  	[tilespmem:$0x1FBD0] =	vst v21  }
0x274: {  	v47 =	vadd.s32 $0x300, v49;
	[tilespmem:v61+s14+$0x0] =	vst.idx.msk $0xffff, v37;
	v0 =	vld [tilespmem:$0x1FD10]  }
0x275: {  	[tilespmem:v22+s14+$0x0] =	vst.idx.msk $0xffff, v29;
	v29 =	vld.idx.msk [tilespmem:v33+s4+$0x0], $0xffff  }
0x276: {  	v21 =	vor.u32 $0x2, v54;
	[tilespmem:v59+s14+$0x0] =	vst.idx.msk $0xffff, v27;
	v27 =	vld [tilespmem:$0x1FD40]  }
0x277: {  	v43 =	vadd.s32 $0x300, v51;
	_ =	sdelay $0x1  }
0x278: {  	v28 =	vld.idx.msk [tilespmem:v47+s4+$0x0], $0xffff  }
0x279: {  	[tilespmem:v3+s14+$0x0] =	vst.idx.msk $0xffff, v60;
	v60 =	vld.idx.msk [tilespmem:v63+s4+$0x0], $0xffff  }
0x27a: {  	[tilespmem:v21+s14+$0x0] =	vst.idx.msk $0xffff, v30;
	v63 =	vld [tilespmem:$0x1FD70]  }
0x27b: {  	[tilespmem:$0x1FBA0] =	vst v18;
	v19 =	vor.u32 $0x3, v54;
	v30 =	vld.idx.msk [tilespmem:v43+s4+$0x0], $0xffff  }
0x27c: {  	v18 =	vadd.s32 $0x400, v51;
	[tilespmem:v0+s14+$0x0] =	vst.idx.msk $0xffff, v62  }
0x27d: {  	v27 =	vld.idx.msk [tilespmem:v27+s4+$0x0], $0xffff;
	_ =	sdelay $0x2  }
0x27e: {  	[tilespmem:v19+s14+$0x0] =	vst.idx.msk $0xffff, v30  }
0x27f: {  	v18 =	vld.idx.msk [tilespmem:v18+s4+$0x0], $0xffff  }
0x280: {  	v24 =	vor.u32 $0x3, v56;
	[tilespmem:v63+s14+$0x0] =	vst.idx.msk $0xffff, v27;
	v27 =	vld [tilespmem:$0x1FD50]  }
0x281: {  	[tilespmem:$0x1FC20] =	vst v25;
	v25 =	vadd.s32 $0x400, v49;
	_ =	sdelay $0x2  }
0x282: {  	[tilespmem:$0x1FB70] =	vst v23  }
0x283: {  	v23 =	vadd.s32 $0x300, v50;
	[tilespmem:v24+s14+$0x0] =	vst.idx.msk $0xffff, v28  }
0x284: {  	[tilespmem:$0x1FC30] =	vst v17;
	v17 =	vor.u32 $0x4, v56;
	v22 =	vadd.s32 $0x400, v52;
	v25 =	vld.idx.msk [tilespmem:v25+s4+$0x0], $0xffff  }
0x285: {  	v16 =	vadd.s32 $0x500, v49  }
0x286: {  	v0 =	vmov v31;
	v27 =	vld.idx.msk [tilespmem:v27+s4+$0x0], $0xffff;
	_ =	sdelay $0x1  }
0x287: {  	v21 =	vld.idx.msk [tilespmem:v23+s4+$0x0], $0xffff;
	v23 =	vor.u32 $0xD, v2  }
0x288: {  	v22 =	vld.idx.msk [tilespmem:v22+s4+$0x0], $0xffff;
	v31 =	vadd.s32 $0xE00, v1;
	[tilespmem:v17+s14+$0x0] =	vst.idx.msk $0xffff, v25  }
0x289: {  	v59 =	vor.u32 $0x4, v53;
	v16 =	vld.idx.msk [tilespmem:v16+s4+$0x0], $0xffff  }
0x28a: {  	[tilespmem:v0+s14+$0x0] =	vst.idx.msk $0xffff, v27;
	v0 =	vld [tilespmem:$0x1FB40];
	_ =	sdelay $0x1  }
0x28b: {  	v13 =	vor.u32 $0x4, v54;
	[tilespmem:v23+s14+$0x0] =	vst.idx.msk $0xffff, v29;
	v62 =	vld [tilespmem:$0x1FD30]  }
0x28c: {  	[tilespmem:$0x1FC40] =	vst v20;
	v29 =	vld.idx.msk [tilespmem:v31+s4+$0x0], $0xffff  }
0x28d: {  	v20 =	vor.u32 $0x3, v55;
	[tilespmem:v59+s14+$0x0] =	vst.idx.msk $0xffff, v22;
	v22 =	vld [tilespmem:$0x1FD60]  }
0x28e: {  	[tilespmem:$0x1FBB0] =	vst v26;
	v26 =	vadd.s32 $0x400, v50;
	_ =	sdelay $0x1  }
0x28f: {  	[tilespmem:v13+s14+$0x0] =	vst.idx.msk $0xffff, v18  }
0x290: {  	v18 =	vld.idx.msk [tilespmem:v0+s4+$0x0], $0xffff  }
0x291: {  	[tilespmem:v20+s14+$0x0] =	vst.idx.msk $0xffff, v21;
	v0 =	vld [tilespmem:$0x1FB50]  }
0x292: {  	v14 =	vor.u32 $0x4, v55;
	v26 =	vld.idx.msk [tilespmem:v26+s4+$0x0], $0xffff  }
0x293: {  	v15 =	vadd.s32 $0x500, v50;
	[tilespmem:v62+s14+$0x0] =	vst.idx.msk $0xffff, v60  }
0x294: {  	v22 =	vld.idx.msk [tilespmem:v22+s4+$0x0], $0xffff  }
0x295: {  	v28 =	vadd.s32 $0xC00, v51  }
0x296: {  	[tilespmem:$0x1FD40] =	vst v28  }
0x297: {  	v21 =	vadd.s32 $0x500, v52;
	v28 =	vadd.s32 $0xC00, v49;
	[tilespmem:v14+s14+$0x0] =	vst.idx.msk $0xffff, v26  }
0x298: {  	v59 =	vmov v28;
	v13 =	vld.idx.msk [tilespmem:v15+s4+$0x0], $0xffff  }
0x299: {  	[tilespmem:v0+s14+$0x0] =	vst.idx.msk $0xffff, v22;
	v0 =	vld [tilespmem:$0x1FB70]  }
0x29a: {  	v20 =	vadd.s32 $0xC00, v50;
	v31 =	vor.u32 $0xE, v2  }
0x29b: {  	v60 =	vadd.s32 $0xF00, v1;
	[tilespmem:$0x1FD50] =	vst v59;
	v59 =	vmov v20  }
0x29c: {  	v21 =	vld.idx.msk [tilespmem:v21+s4+$0x0], $0xffff;
	[tilespmem:$0x1FD60] =	vst v59;
	v59 =	vor.u32 $0x5, v53;
	_ =	sdelay $0x1  }
0x29d: {  	v12 =	vadd.s32 $0x500, v51;
	v19 =	vor.u32 $0xC, v54  }
0x29e: {  	[tilespmem:v31+s14+$0x0] =	vst.idx.msk $0xffff, v29;
	v29 =	vmov v19  }
0x29f: {  	[tilespmem:$0x1FD70] =	vst v29;
	v29 =	vld.idx.msk [tilespmem:v60+s4+$0x0], $0xffff  }
0x2a0: {  	[tilespmem:v59+s14+$0x0] =	vst.idx.msk $0xffff, v21;
	v21 =	vld.idx.msk [tilespmem:v0+s4+$0x0], $0xffff  }
0x2a1: {  	v0 =	vld [tilespmem:$0x1FB80]  }
0x2a2: {  	v6 =	vor.u32 $0x5, v54;
	v12 =	vld.idx.msk [tilespmem:v12+s4+$0x0], $0xffff  }
0x2a3: {  	v5 =	vadd.s32 $0x600, v51;
	_ =	sdelay $0x3  }
0x2a4: {  	[tilespmem:v6+s14+$0x0] =	vst.idx.msk $0xffff, v12  }
0x2a5: {  	v5 =	vld.idx.msk [tilespmem:v5+s4+$0x0], $0xffff  }
0x2a6: {  	[tilespmem:v0+s14+$0x0] =	vst.idx.msk $0xffff, v18;
	v0 =	vld [tilespmem:$0x1FB90]  }
0x2a7: {  	v8 =	vor.u32 $0x5, v55  }
0x2a8: {  	v10 =	vadd.s32 $0x600, v50;
	_ =	sdelay $0x3  }
0x2a9: {  	[tilespmem:v8+s14+$0x0] =	vst.idx.msk $0xffff, v13  }
0x2aa: {  	v6 =	vld.idx.msk [tilespmem:v10+s4+$0x0], $0xffff  }
0x2ab: {  	v10 =	vld.idx.msk [tilespmem:v0+s4+$0x0], $0xffff  }
0x2ac: {  	v0 =	vld [tilespmem:$0x1FBA0]  }
0x2ad: {  	v9 =	vor.u32 $0x5, v56  }
0x2ae: {  	v11 =	vadd.s32 $0x600, v49;
	_ =	sdelay $0x2  }
0x2af: {  	v1 =	vmov v52  }
0x2b0: {  	v26 =	vadd.s32 $0x600, v1;
	[tilespmem:v9+s14+$0x0] =	vst.idx.msk $0xffff, v16  }
0x2b1: {  	v11 =	vld.idx.msk [tilespmem:v11+s4+$0x0], $0xffff  }
0x2b2: {  	[tilespmem:v0+s14+$0x0] =	vst.idx.msk $0xffff, v21;
	v0 =	vld [tilespmem:$0x1FBB0];
	_ =	sdelay $0x1  }
0x2b3: {  	v15 =	vor.u32 $0xF, v2;
	v2 =	vmov v53  }
0x2b4: {  	v9 =	vld.idx.msk [tilespmem:v26+s4+$0x0], $0xffff;
	v16 =	vor.u32 $0x6, v2;
	_ =	sdelay $0x3  }
0x2b5: {  	[tilespmem:v15+s14+$0x0] =	vst.idx.msk $0xffff, v29  }
0x2b6: {  	v4 =	vmov v32;
	[tilespmem:v16+s14+$0x0] =	vst.idx.msk $0xffff, v9;
	v9 =	vld.idx.msk [tilespmem:v0+s4+$0x0], $0xffff  }
0x2b7: {  	v0 =	vld [tilespmem:$0x1FBC0];
	_ =	sdelay $0x3  }
0x2b8: {  	v13 =	vld.idx.msk [tilespmem:v4+s4+$0x0], $0xffff  }
0x2b9: {  	v4 =	vld [tilespmem:$0x1FC00];
	_ =	sdelay $0x2  }
0x2ba: {  	v24 =	vor.u32 $0xB, v56;
	[tilespmem:v0+s14+$0x0] =	vst.idx.msk $0xffff, v11;
	v0 =	vld [tilespmem:$0x1FBD0]  }
0x2bb: {  	v3 =	vadd.s32 $0xB00, v51;
	[tilespmem:$0x1FD20] =	vst v24;
	v24 =	vor.u32 $0xB, v55;
	v8 =	vadd.s32 $0x700, v1  }
0x2bc: {  	[tilespmem:$0x1FCF0] =	vst v3;
	v63 =	vmov v24  }
0x2bd: {  	v3 =	vadd.s32 $0xB00, v49;
	v52 =	vor.u32 $0xD, v56;
	[tilespmem:$0x1FD30] =	vst v63;
	v63 =	vadd.s32 $0xE00, v51  }
0x2be: {  	[tilespmem:$0x1FD00] =	vst v3  }
0x2bf: {  	v3 =	vadd.s32 $0xB00, v50;
	[tilespmem:v4+s14+$0x0] =	vst.idx.msk $0xffff, v5;
	v5 =	vld [tilespmem:$0x1FC40]  }
0x2c0: {  	v18 =	vmovc v52;
	v52 =	vmov v63;
	v63 =	vmov v3;
	v3 =	vld.idx.msk [tilespmem:v8+s4+$0x0], $0xffff;
	v8 =	vor.u32 $0x7, v2  }
0x2c1: {  	v7 =	vadd.s32 $0x700, v49  }
0x2c2: {  	[tilespmem:v0+s14+$0x0] =	vst.idx.msk $0xffff, v13;
	v0 =	vld [tilespmem:$0x1FBF0];
	_ =	sdelay $0x2  }
0x2c3: {  	[tilespmem:v8+s14+$0x0] =	vst.idx.msk $0xffff, v3;
	v3 =	vld [tilespmem:$0x1FC50]  }
0x2c4: {  	v7 =	vld.idx.msk [tilespmem:v7+s4+$0x0], $0xffff  }
0x2c5: {  	[tilespmem:v5+s14+$0x0] =	vst.idx.msk $0xffff, v9;
	v5 =	vld [tilespmem:$0x1FC60];
	_ =	sdelay $0x2  }
0x2c6: {  	[tilespmem:v0+s14+$0x0] =	vst.idx.msk $0xffff, v6;
	v0 =	vadd.s32 $0x800, v1;
	_ =	sdelay $0x2  }
0x2c7: {  	v4 =	vld [tilespmem:$0x1FC10]  }
0x2c8: {  	v3 =	vld.idx.msk [tilespmem:v3+s4+$0x0], $0xffff  }
0x2c9: {  	[tilespmem:v5+s14+$0x0] =	vst.idx.msk $0xffff, v7;
	v5 =	vld.idx.msk [tilespmem:v0+s4+$0x0], $0xffff  }
0x2ca: {  	v0 =	vld [tilespmem:$0x1FC70];
	_ =	sdelay $0x5  }
0x2cb: {  	v13 =	vld.idx.msk [tilespmem:v4+s4+$0x0], $0xffff  }
0x2cc: {  	v57 =	vmov v34;
	v4 =	vld [tilespmem:$0x1FC20]  }
0x2cd: {  	v6 =	vld.idx.msk [tilespmem:v0+s4+$0x0], $0xffff  }
0x2ce: {  	v0 =	vld [tilespmem:$0x1FC80];
	_ =	sdelay $0x1  }
0x2cf: {  	v58 =	vadd.s32 $0x700, v50  }
0x2d0: {  	v11 =	vld.idx.msk [tilespmem:v57+s4+$0x0], $0xffff;
	_ =	sdelay $0x1  }
0x2d1: {  	v7 =	vld [tilespmem:$0x1FCB0]  }
0x2d2: {  	[tilespmem:v4+s14+$0x0] =	vst.idx.msk $0xffff, v10;
	v4 =	vld [tilespmem:$0x1FC30]  }
0x2d3: {  	v12 =	vld.idx.msk [tilespmem:v58+s4+$0x0], $0xffff  }
0x2d4: {  	[tilespmem:v0+s14+$0x0] =	vst.idx.msk $0xffff, v11;
	v0 =	vld [tilespmem:$0x1FC90];
	_ =	sdelay $0x2  }
0x2d5: {  	v46 =	vor.u32 $0x8, v56;
	v39 =	vadd.s32 $0x900, v51  }
0x2d6: {  	v40 =	vor.u32 $0x8, v54;
	v48 =	vor.u32 $0x8, v55;
	v32 =	vadd.s32 $0xD00, v49  }
0x2d7: {  	v34 =	vadd.s32 $0xE00, v49;
	v45 =	vadd.s32 $0x900, v50;
	v42 =	vor.u32 $0x9, v56  }
0x2d8: {  	v44 =	vadd.s32 $0x800, v51;
	v38 =	vor.u32 $0xA, v56;
	v35 =	vadd.s32 $0xA00, v51;
	v4 =	vld.idx.msk [tilespmem:v4+s4+$0x0], $0xffff  }
0x2d9: {  	v43 =	vadd.s32 $0xA00, v49;
	v36 =	vadd.s32 $0xA00, v50;
	v41 =	vor.u32 $0x9, v55;
	[tilespmem:v7+s14+$0x0] =	vst.idx.msk $0xffff, v13;
	v7 =	vld [tilespmem:$0x1FCC0]  }
0x2da: {  	v37 =	vor.u32 $0x9, v54;
	v61 =	vor.u32 $0xB, v54;
	v47 =	vadd.s32 $0x900, v49;
	[tilespmem:v0+s14+$0x0] =	vst.idx.msk $0xffff, v12;
	v0 =	vld [tilespmem:$0x1FCA0]  }
0x2db: {  	[tilespmem:$0x1FD10] =	vst v61;
	v61 =	vadd.s32 $0xD00, v51;
	v33 =	vadd.s32 $0xD00, v50;
	v23 =	vor.u32 $0xC, v56  }
0x2dc: {  	s21 =	sadd.s32 $0x4, s21;
	v30 =	vor.u32 $0xC, v55;
	v28 =	vor.u32 $0xE, v55;
	v62 =	vor.u32 $0xD, v55  }
0x2dd: {  	p0 =	slt.u32 s21, $0x7C;
	v55 =	vor.u32 $0xF, v55;
	v24 =	vor.u32 $0xD, v54;
	v20 =	vor.u32 $0xE, v54;
	v60 =	vld [tilespmem:$0x1FB30]  }
.Ltmp1:
0x2de: {  	v19 =	vadd.s32 $0xF00, v49;
	v53 =	vmovc v61;
	v61 =	vld [tilespmem:$0x1FB60];
	v17 =	vor.u32 $0xE, v56;
	v25 =	vadd.s32 $0xE00, v50;
	(pc) =	sbr.rel @p0 .LBB2_5-.Ltmp1, $4  }
0x2df: {  	v49 =	vor.u32 $0xF, v54;
	v31 =	vmovc v23;
	v23 =	vmovc v32;
	v32 =	vmov v33;
	v51 =	vadd.s32 $0xF00, v51;
	v59 =	vld [tilespmem:$0x1FFF0]  }
0x2e0: {  	v54 =	vmovc v24;
	v14 =	vadd.s32 $0xF00, v50;
	v56 =	vor.u32 $0xF, v56;
	v22 =	vmovc v30;
	v21 =	vmov v62;
	v62 =	vld [tilespmem:$0x1FBE0]  }
0x2e1: {  	v26 =	vmovc v34;
	v34 =	vmovc v25;
	v25 =	vmov v20;
	v20 =	vmov v17;
	v17 =	vmov v51;
	v7 =	vld.idx.msk [tilespmem:v7+s4+$0x0], $0xffff  }
0x2e2: {  	s22 =	sadd.s32 $0x40, s22;
	v15 =	vmovc v19;
	v8 =	vor.u32 $0x8, v2;
	v9 =	vadd.s32 $0x900, v1;
	v11 =	vmovc v28;
	v12 =	vmov v14;
	v0 =	vld.idx.msk [tilespmem:v0+s4+$0x0], $0xffff  }
0x2e3: {  	_ =	sdelay $0x3  }
0x2e4: {  	v10 =	vld.idx.msk [tilespmem:v44+s4+$0x0], $0xffff;
	[tilespmem:v8+s14+$0x0] =	vst.idx.msk $0xffff, v5  }
0x2e5: {  	v19 =	vor.u32 $0x9, v2;
	v5 =	vld.idx.msk [tilespmem:v9+s4+$0x0], $0xffff  }
0x2e6: {  	v24 =	vadd.s32 $0xA00, v1  }
0x2e7: {  	[tilespmem:v46+s14+$0x0] =	vst.idx.msk $0xffff, v6  }
0x2e8: {  	v28 =	vld.idx.msk [tilespmem:v47+s4+$0x0], $0xffff;
	[tilespmem:v48+s14+$0x0] =	vst.idx.msk $0xffff, v7  }
0x2e9: {  	v29 =	vld.idx.msk [tilespmem:v45+s4+$0x0], $0xffff;
	[tilespmem:v40+s14+$0x0] =	vst.idx.msk $0xffff, v10  }
0x2ea: {  	v27 =	vld.idx.msk [tilespmem:v39+s4+$0x0], $0xffff;
	[tilespmem:v19+s14+$0x0] =	vst.idx.msk $0xffff, v5  }
0x2eb: {  	v30 =	vor.u32 $0xA, v2;
	v5 =	vld.idx.msk [tilespmem:v24+s4+$0x0], $0xffff;
	_ =	sdelay $0x1  }
0x2ec: {  	[tilespmem:v42+s14+$0x0] =	vst.idx.msk $0xffff, v28  }
0x2ed: {  	[tilespmem:v41+s14+$0x0] =	vst.idx.msk $0xffff, v29  }
0x2ee: {  	[tilespmem:v37+s14+$0x0] =	vst.idx.msk $0xffff, v27  }
0x2ef: {  	[tilespmem:v30+s14+$0x0] =	vst.idx.msk $0xffff, v5  }
0x2f0: {  	v41 =	vld [tilespmem:$0x1FCD0];
	_ =	sdelay $0x1  }
0x2f1: {  	v39 =	vld.idx.msk [tilespmem:v43+s4+$0x0], $0xffff  }
0x2f2: {  	v37 =	vld.idx.msk [tilespmem:v35+s4+$0x0], $0xffff;
	_ =	sdelay $0x3  }
0x2f3: {  	[tilespmem:v38+s14+$0x0] =	vst.idx.msk $0xffff, v39  }
0x2f4: {  	v33 =	vadd.s32 $0xB00, v1;
	[tilespmem:v41+s14+$0x0] =	vst.idx.msk $0xffff, v37  }
0x2f5: {  	v9 =	vld [tilespmem:$0x1FCE0];
	_ =	sdelay $0x2  }
0x2f6: {  	v10 =	vld.idx.msk [tilespmem:v36+s4+$0x0], $0xffff  }
0x2f7: {  	v40 =	vor.u32 $0xB, v2;
	v5 =	vld.idx.msk [tilespmem:v33+s4+$0x0], $0xffff  }
0x2f8: {  	v8 =	vld [tilespmem:$0x1FCF0];
	_ =	sdelay $0x2  }
0x2f9: {  	[tilespmem:v9+s14+$0x0] =	vst.idx.msk $0xffff, v10  }
0x2fa: {  	v9 =	vld [tilespmem:$0x1FD00];
	[tilespmem:v40+s14+$0x0] =	vst.idx.msk $0xffff, v5  }
0x2fb: {  	v44 =	vld [tilespmem:$0x1FD10];
	_ =	sdelay $0x2  }
0x2fc: {  	v8 =	vld.idx.msk [tilespmem:v8+s4+$0x0], $0xffff;
	_ =	sdelay $0x4  }
0x2fd: {  	[tilespmem:v44+s14+$0x0] =	vst.idx.msk $0xffff, v8  }
0x2fe: {  	v8 =	vld [tilespmem:$0x1FD20];
	_ =	sdelay $0x2  }
0x2ff: {  	v9 =	vld.idx.msk [tilespmem:v9+s4+$0x0], $0xffff;
	_ =	sdelay $0x4  }
0x300: {  	[tilespmem:v8+s14+$0x0] =	vst.idx.msk $0xffff, v9  }
0x301: {  	v9 =	vld [tilespmem:$0x1FD30];
	_ =	sdelay $0x1  }
0x302: {  	v42 =	vadd.s32 $0xC00, v1  }
0x303: {  	v10 =	vld.idx.msk [tilespmem:v63+s4+$0x0], $0xffff;
	_ =	sdelay $0x3  }
0x304: {  	v43 =	vor.u32 $0xC, v2;
	v5 =	vld.idx.msk [tilespmem:v42+s4+$0x0], $0xffff  }
0x305: {  	v8 =	vld [tilespmem:$0x1FD40];
	[tilespmem:v9+s14+$0x0] =	vst.idx.msk $0xffff, v10  }
0x306: {  	v9 =	vld [tilespmem:$0x1FD50]  }
0x307: {  	v10 =	vld [tilespmem:$0x1FD60];
	_ =	sdelay $0x1  }
0x308: {  	[tilespmem:v43+s14+$0x0] =	vst.idx.msk $0xffff, v5  }
0x309: {  	v47 =	vld [tilespmem:$0x1FD70];
	_ =	sdelay $0x2  }
0x30a: {  	v45 =	vadd.s32 $0xD00, v1;
	v8 =	vld.idx.msk [tilespmem:v8+s4+$0x0], $0xffff  }
0x30b: {  	v9 =	vld.idx.msk [tilespmem:v9+s4+$0x0], $0xffff  }
0x30c: {  	v10 =	vld.idx.msk [tilespmem:v10+s4+$0x0], $0xffff;
	_ =	sdelay $0x2  }
0x30d: {  	v46 =	vor.u32 $0xD, v2;
	v5 =	vld.idx.msk [tilespmem:v45+s4+$0x0], $0xffff;
	[tilespmem:v47+s14+$0x0] =	vst.idx.msk $0xffff, v8  }
0x30e: {  	v48 =	vadd.s32 $0xE00, v1;
	v8 =	vld.idx.msk [tilespmem:v53+s4+$0x0], $0xffff;
	[tilespmem:v31+s14+$0x0] =	vst.idx.msk $0xffff, v9  }
0x30f: {  	[tilespmem:v22+s14+$0x0] =	vst.idx.msk $0xffff, v10;
	v9 =	vld.idx.msk [tilespmem:v23+s4+$0x0], $0xffff  }
0x310: {  	v10 =	vld.idx.msk [tilespmem:v32+s4+$0x0], $0xffff;
	_ =	sdelay $0x1  }
0x311: {  	[tilespmem:v46+s14+$0x0] =	vst.idx.msk $0xffff, v5  }
0x312: {  	v50 =	vor.u32 $0xE, v2;
	v5 =	vld.idx.msk [tilespmem:v48+s4+$0x0], $0xffff;
	[tilespmem:v54+s14+$0x0] =	vst.idx.msk $0xffff, v8  }
0x313: {  	v51 =	vadd.s32 $0xF00, v1;
	v52 =	vld.idx.msk [tilespmem:v52+s4+$0x0], $0xffff;
	[tilespmem:v18+s14+$0x0] =	vst.idx.msk $0xffff, v9  }
0x314: {  	[tilespmem:v21+s14+$0x0] =	vst.idx.msk $0xffff, v10;
	v53 =	vld.idx.msk [tilespmem:v26+s4+$0x0], $0xffff  }
0x315: {  	v54 =	vld.idx.msk [tilespmem:v34+s4+$0x0], $0xffff  }
0x316: {  	[tilespmem:v62+s14+$0x0] =	vst.idx.msk $0xffff, v4  }
0x317: {  	[tilespmem:v50+s14+$0x0] =	vst.idx.msk $0xffff, v5  }
0x318: {  	v57 =	vor.u32 $0xF, v2;
	v1 =	vld.idx.msk [tilespmem:v51+s4+$0x0], $0xffff;
	[tilespmem:v25+s14+$0x0] =	vst.idx.msk $0xffff, v52  }
0x319: {  	v58 =	vld.idx.msk [tilespmem:v17+s4+$0x0], $0xffff;
	[tilespmem:v20+s14+$0x0] =	vst.idx.msk $0xffff, v53  }
0x31a: {  	[tilespmem:v11+s14+$0x0] =	vst.idx.msk $0xffff, v54;
	v62 =	vld.idx.msk [tilespmem:v15+s4+$0x0], $0xffff  }
0x31b: {  	s18 =	sadd.s32 $0x1, s18;
	[tilespmem:v61+s14+$0x0] =	vst.idx.msk $0xffff, v3;
	v63 =	vld.idx.msk [tilespmem:v12+s4+$0x0], $0xffff  }
0x31c: {  	p0 =	sne.s32 s18, $0x20;
	[tilespmem:v60+s14+$0x0] =	vst.idx.msk $0xffff, v0  }
.Ltmp2:
0x31d: {  	[tilespmem:v57+s14+$0x0] =	vst.idx.msk $0xffff, v1;
	(pc) =	sbr.rel @p0 .LBB2_2-.Ltmp2, $4  }
0x31e: {  	[tilespmem:v49+s14+$0x0] =	vst.idx.msk $0xffff, v58  }
0x31f: {  	s19 =	sadd.s32 s20, s3;
	[tilespmem:v56+s14+$0x0] =	vst.idx.msk $0xffff, v62  }
0x320: {  	s19 =	sadd.s32 $0x1000, s19;
	[tilespmem:v55+s14+$0x0] =	vst.idx.msk $0xffff, v63  }
0x321: {  	[hbm4b:s19+s4] =	stream.linear.scatter [tilespmem:s14], [sflag:$0x3], $0x8000, $0x38;
	[tilespmem:$0x12000] =	vst v63  }
0x322: {  	s17 =	sadd.s32 $0x1, s17  }
0x323: {  	_ =	swait.ge [sflag:s15], $0x8000;
	p0 =	sne.s32 s17, s9  }
.Ltmp3:
0x324: {  	[sflag:s15] =	ssyncset.done $0x0;
	(pc) =	sbr.rel @p0 .LBB2_1-.Ltmp3, $4  }
0x325: {  	[sflag:s15] =	ssyncadd.s32 $0xFFFF8000  }
0x326: {  	_ =	swait.ge [sflag:s16], $0x8000  }
0x327: {  	[sflag:s16] =	ssyncset.done $0x0  }
0x328: {  	[sflag:s16] =	ssyncadd.s32 $0xFFFF8000  }
0x329: {  	_ =	sfence.sel $0x180000  }
0x32a: {  	[bflag:$0x0] =	sbarrier.arrive $0xFFFF  }
0x32b: {  	p0 =	sne.s32 s2, $0x0;
	_ =	strace $0x90000047  }
0x32c: {  	s0 =	sadd.s32 @!p0 $0x100000, s0;
	[bflag:$0x2] =	sbarrier.arrive $0xFFFF  }
0x32d: {  	[sflag:s0] =	ssyncadd.tile.s32 @!p0 $0x1;
	_ =	shalt  }
.Lfunc_end2:
_tile_overlayer_lowered:
.L_overlay_start_2:
0x32e: {  	(tag) =	ssettag $0x2  }
0x32f: {  	s0 =	rddreg [dreg:$0x0];
	s2 =	stileid.u32  }
0x330: {  	s1 =	rddreg [dreg:$0x1];
	p0 =	sne.s32 s2, $0x0  }
0x331: {  	s3 =	rddreg [dreg:$0x2];
	[bflag:$0x3] =	sbarrier.arrive $0xFFFF;
	s2 =	simm.s32 @!p0 $0x1C04  }
0x332: {  	[timem:s3], [sflag:s2] =	dma.local @!p0 [hbm:s0], s1  }
0x333: {  	s0 =	simm.s32 @!p0 $0x4  }
0x334: {  	_ =	swait.ge @!p0 [sflag:s0], s1  }
0x335: {  	s1 =	ssub.s32 @!p0 $0x0, s1;
	[sflag:s0] =	ssyncset.done @!p0 $0x0  }
0x336: {  	[sflag:s0] =	ssyncadd.s32 @!p0 s1  }
0x337: {  	[bflag:$0x3] =	sbarrier.arrive $0xFFFF  }
0x338: {  	_ =	shalt  }

// kernel: sparse-core-data-format-call.cloned.1.call-start
scs
called_computation_lowered:
.L_overlay_start_0:
0x0: {  	s2 =	sld [smem:$0x3FD9]  }
0x1: {  	s3 =	sld [smem:$0x3FFE];
	_ =	sdelay $0x1  }
0x2: {  	s1 =	srdreg.scid  }
0x3: {  	s0 =	sand.u32 $0x1, s1  }
0x4: {  	s18 =	sshll.u32 s0, $0xA;
	s2 =	sadd.s32 s3, s2  }
0x5: {  	s2 =	sadd.s32 s2, s18  }
0x6: {  	[smem:$0x3FC6] =	sst s2  }
0x7: {  	_ = 	snop  }
0x8: {  	s2 =	sld [smem:$0x3FD0];
	(tm) =	ssettm $0x1  }
0x9: {  	s19 =	sld [smem:$0x3FFB];
	_ =	sdelay $0x3  }
0xa: {  	_ =	strace s19  }
0xb: {  	s3 =	sld [smem:$0x3FFC];
	_ =	sdelay $0x3  }
0xc: {  	_ =	strace s3  }
0xd: {  	s3 =	sld [smem:$0x3FFD];
	_ =	sdelay $0x3  }
0xe: {  	_ =	strace s3  }
0xf: {  	_ =	strace $0x8FFFFFFF  }
0x10: {  	s20 =	sld [smem:$0x3FDB];
	_ =	sdelay $0x1  }
0x11: {  	s4 =	simm.s32 $_scs_section_size  }
0x12: {  	s5 =	simm.s32 $_size__tile_overlayer_lowered;
	s6 =	simm.s32 $_tile_overlayer_lowered  }
0x13: {  	s23 =	simm.s32 $0x1BFF;
	s22 =	sshll.u32 s6, $0x1;
	s3 =	sadd.s32 s4, s20  }
0x14: {  	s7 =	simm.s32 $0x0;
	s21 =	sshll.u32 s5, $0x1;
	s5 =	sadd.s32 s22, s3  }
0x15: {  	[timem:s7], [sflag:s23] =	dma.local [hbm:s5], s21  }
0x16: {  	_ =	swait.ge [sflag:s23], s21  }
0x17: {  	s4 =	ssub.s32 $0x0, s21;
	[sflag:s23] =	ssyncset.done $0x0  }
0x18: {  	[sflag:s23] =	ssyncadd.s32 s4;
	_ =	sdelay $0x1  }
0x19: {  	s24 =	simm.s32 $0x1B8B  }
0x1a: {  	_ =	swait.ge [sflag:s24], $0x1  }
0x1b: {  	[sflag:s24] =	ssyncset.done $0x0  }
0x1c: {  	s26 =	simm.s32 $0x1B8E;
	s25 =	sld [smem:$0x3FFE];
	[sflag:s24] =	ssyncadd.s32 $0xFFFFFFFF  }
0x1d: {  	s27 =	simm.s32 $execute0_lowered;
	[smem:$0x3FD2] =	sst s26  }
0x1e: {  	s5 =	sshll.u32 s27, $0x1;
	_ =	strace $0x80000049;
	[dreg:$0x1] =	wrdreg $0xFFFFFFFF  }
0x1f: {  	s28 =	simm.s32 $_size_execute0_lowered;
	s3 =	sadd.s32 s3, s5;
	[dreg:$0x0] =	wrdreg $0x0  }
0x20: {  	s5 =	sshll.u32 s28, $0x1;
	[dreg:$0x2] =	wrdreg s3  }
0x21: {  	[dreg:$0x3] =	wrdreg s5  }
0x22: {  	[dreg:$0x4] =	wrdreg $0xC0  }
0x23: {  	_ =	task [dreg:s7], $0x5FFFF  }
0x24: {  	[dreg:$0x1] =	wrdreg $0xFFFFFFFF  }
0x25: {  	[dreg:$0x0] =	wrdreg $0x60  }
0x26: {  	[dreg:$0x2] =	wrdreg s25  }
0x27: {  	[dreg:$0x3] =	wrdreg s2  }
0x28: {  	[dreg:$0x4] =	wrdreg $0x9  }
0x29: {  	_ =	task.clear_ibuf [dreg:s7], $0x5FFFF;
	_ =	strace $0x90000049  }
0x2a: {  	s29 =	simm.s32 $0x9;
	_ =	strace $0x8000004B  }
0x2b: {  	_ =	swait.ge [sflag:s29], $0x1  }
0x2c: {  	[sflag:s29] =	ssyncadd.s32 $0xFFFFFFFF  }
0x2d: {  	_ =	strace $0x9000004B  }
0x2e: {  	_ =	sfence  }
0x2f: {  	s30 =	sld [smem:$0x0];
	_ =	sdelay $0x2  }
0x30: {  	s31 =	sshll.u32 s1, $0xD;
	s1 =	sshrl.u32 s1, $0x2  }
0x31: {  	s3 =	sand.u32 $0x4000, s31;
	s1 =	sadd.s32 s1, s30  }
0x32: {  	s0 =	sor.u32 s3, s0;
	s1 =	sshll.u32 s1, $0x11  }
0x33: {  	s0 =	sor.u32 s1, s0  }
0x34: {  	s0 =	sadd.s32 $0x8F2B, s0  }
0x35: {  	[sflag:s0] =	ssyncadd.remote.s32 $0x1  }
0x36: {  	_ =	sfence.sel $0xFFFF  }
0x37: {  	[dreg:$0x0] =	wrdreg $0xFFFFFFFF;
	(pc) =	sbr.abs _section_cstart, $3  }
0x38: {  	[dreg:$0x1] =	wrdreg $0xFFFFFFFF  }
0x39: {  	_ =	task.clear_ibuf [dreg:s7], $0x2FFFF;
	_ =	strace $0x9FFFFFFF  }
0x3a: {  	(tm) =	ssettm $0x7FFFFFFF  }
0x3b: {  	_ =	shalt  }
tec
execute0_lowered:
.L_overlay_start_1:
0x0: {  	(tag) =	ssettag $0x1  }
0x1: {  	s0 =	srdreg.scid  }
0x2: {  	s1 =	sshll.u32 s0, $0x4  }
0x3: {  	s4 =	rddreg [dreg:$0x0];
	s0 =	stileid.u32;
	s1 =	sand.u32 $0x10, s1  }
0x4: {  	s2 =	rddreg [dreg:$0x1];
	s7 =	simm.s32 $0x1;
	s1 =	sor.u32 s0, s1  }
0x5: {  	s8 =	simm.s32 $0x2;
	s11 =	simm.s32 $0x0;
	s3 =	sshll.u32 s1, $0x7  }
0x6: {  	s10 =	simm.s32 $0x0;
	s4 =	sadd.s32 $0x800, s4;
	s6 =	ssub.s32 $0x400000, s3  }
.Ltmp0:
0x7: {  	s1 =	rddreg [dreg:$0x2];
	s5 =	sand.u32 $0xF80, s6;
	(pc) =	sbr.rel .LBB1_1-.Ltmp0, $4  }
0x8: {  	_ =	strace $0x8000004A;
	s9 =	smov.u32 s3;
	p0 =	sne.s32 s5, $0x0  }
0x9: {  	s6 =	sshrl.u32 s6, $0xC;
	s5 =	simm.s32 $0x1;
	s7 =	simm.s32 @!p0 $0x0  }
0xa: {  	[sflag:s5] =	ssyncpa.u1 $0x0;
	p0 =	por $0x0, $0x0;
	s6 =	sadd.s32 s7, s6  }
0xb: {  	[sflag:s8] =	ssyncpa.u1 $0x0;
	s8 =	simm.s32 $0x2000000;
	s7 =	sadd.s32 $0x1, s6  }
.LBB1_4:
0xc: {  	[tilespmem:s12+$0xFFFFFFFC ss:$0x81] =	vst.msk $0xffff, v2;
	s14 =	sshll.u32 s11, $0x3  }
0xd: {  	[tilespmem:s12+$0xFFFFFFFD ss:$0x81] =	vst.msk $0xffff, v3;
	s15 =	sand.u32 $0x78, s11;
	s14 =	sand.u32 $0x3FFC00, s14  }
0xe: {  	[tilespmem:s12+$0xFFFFFFFE ss:$0x81] =	vst.msk $0xffff, v1;
	s29 =	sand.u32 $0x780000, s11;
	s30 =	sand.u32 $0x7, s11;
	s14 =	sor.u32 s15, s14  }
0xf: {  	[tilespmem:s12+$0xFFFFFFFF ss:$0x81] =	vst.msk $0xffff, v4;
	s11 =	sshll.u32 s30, $0x12;
	s15 =	sadd.s32 s2, s29;
	s14 =	sshrl.u32 s14, $0x3  }
0x10: {  	[tilespmem:s12+$0xFFFFFFF9 ss:$0x81] =	vst.msk $0xffff, v0;
	s11 =	sor.u32 $0x400, s11;
	s31 =	sadd.s32 s14, s15  }
0x11: {  	[hbm4b:s31+s11] =	stream.strided.scatter [tilespmem:s13], [sflag:$0x2], $0x800, s8, s11, $0x20;
	[tilespmem:$0x2020] =	vst v63  }
.LBB1_5:
0x12: {  	s13 =	sadd.s32 $0x1000, s9  }
0x13: {  	p2 =	sgt.s32 s13, $0x3FFFFF  }
0x14: {  	s13 =	smov.u32 @p2 s3;
	p2 =	sne.s32 s10, s7  }
.Ltmp1:
0x15: {  	p1 =	slt.u32 s10, $0x2;
	(pc) =	sbr.rel @!p2 .LBB1_6-.Ltmp1, $4  }
0x16: {  	s12 =	simm.s32 @!p1 $0x2  }
0x17: {  	s14 =	sadd.s32 $0x1, s10;
	_ =	swait.ge @!p1 [sflag:s12], $0x800  }
0x18: {  	s11 =	smov.u32 s9;
	p0 =	por !p0, !p0;
	[sflag:s12] =	ssyncset.done @!p1 $0x0  }
0x19: {  	s10 =	smov.u32 s14;
	s9 =	smov.u32 s13;
	[sflag:s12] =	ssyncadd.s32 @!p1 $0xFFFFF800  }
.LBB1_1:
0x1a: {  	p1 =	sge.u32 s10, s6  }
0x1b: {  	s31 =	sadd.s32 $0xFFFFFFFF, s10;
	s12 =	sxor.u32 @!p1 $0xFFFFFFFF, s10;
	s13 =	sshll.u32 @!p1 s9, $0x4  }
0x1c: {  	s14 =	simm.s32 @!p1 $0x10;
	s12 =	sshll.u32 @!p1 s12, $0xB;
	s13 =	sand.u32 @!p1 $0x3FFFFF0, s13  }
0x1d: {  	s15 =	simm.s32 @!p1 $0x80;
	s12 =	sand.u32 @!p1 $0x800, s12;
	s13 =	sadd.s32 @!p1 s4, s13  }
0x1e: {  	[tilespmem:s12], [sflag:$0x1] =	stream.strided.gather @!p1 [hbm4b:s13+s14], $0x800, s15, s14, $0x38;
	[tilespmem:$0x2020] =	vst v63  }
0x1f: {  	p1 =	sge.u32 s31, s6  }
.Ltmp2:
0x20: {  	_ = 	snop;
	(pc) =	sbr.rel @p1 .LBB1_5-.Ltmp2, $1  }
0x21: {  	_ =	sdelay $0x3  }
0x22: {  	s12 =	simm.s32 $0x1  }
0x23: {  	_ =	swait.ge [sflag:s5], $0x800;
	s12 =	simm.s32 @!p0 $0x0  }
0x24: {  	[sflag:s5] =	ssyncset.done $0x0;
	s13 =	sshll.u32 s12, $0xB  }
0x25: {  	[sflag:s5] =	ssyncadd.s32 $0xFFFFF800;
	s15 =	sor.u32 $0x40, s13  }
0x26: {  	v0 =	vld [tilespmem:s15+$0x30]  }
0x27: {  	s12 =	smul.u32 $0x2040, s12;
	v4 =	vld [tilespmem:s15+$0xFFFFFFD0]  }
0x28: {  	v5 =	vld [tilespmem:s15+$0xFFFFFFE0]  }
0x29: {  	s31 =	sand.u32 $0x1, s10;
	s12 =	sshrl.u32 s12, $0x2;
	v2 =	vld [tilespmem:s15+$0xFFFFFFF0]  }
0x2a: {  	s13 =	smul.u32 $0x2040, s31;
	v3 =	vld [tilespmem:s15+$0x0];
	s12 =	sor.u32 $0x1007, s12  }
0x2b: {  	v1 =	vld [tilespmem:s15+$0x10];
	[tilespmem:s12+$0x0 ss:$0x81] =	vst.msk $0xffff, v0  }
0x2c: {  	s13 =	sshrl.u32 s13, $0x2;
	[tilespmem:s12+$0xFFFFFFFA ss:$0x81] =	vst.msk $0xffff, v4;
	v4 =	vld [tilespmem:s15+$0x20]  }
0x2d: {  	s14 =	simm.s32 $0x0;
	s13 =	sor.u32 $0x1000, s13;
	v0 =	vld [tilespmem:s15+$0xFFFFFFC0];
	[tilespmem:s12+$0xFFFFFFFB ss:$0x81] =	vst.msk $0xffff, v5;
	s15 =	sadd.s32 $0x80, s15  }
.LBB1_3:
0x2e: {  	v5 =	vld [tilespmem:s15+$0x30];
	s14 =	sadd.s32 $0x8, s14;
	[tilespmem:s12+$0xFFFFFFFC ss:$0x81] =	vst.msk $0xffff, v2  }
0x2f: {  	v6 =	vld [tilespmem:s15+$0xFFFFFFD0];
	p1 =	slt.u32 s14, $0x78;
	[tilespmem:s12+$0xFFFFFFFD ss:$0x81] =	vst.msk $0xffff, v3  }
0x30: {  	v7 =	vld [tilespmem:s15+$0xFFFFFFE0];
	[tilespmem:s12+$0xFFFFFFFE ss:$0x81] =	vst.msk $0xffff, v1  }
.Ltmp3:
0x31: {  	v2 =	vld [tilespmem:s15+$0xFFFFFFF0];
	[tilespmem:s12+$0xFFFFFFFF ss:$0x81] =	vst.msk $0xffff, v4;
	(pc) =	sbr.rel @p1 .LBB1_3-.Ltmp3, $4  }
0x32: {  	v3 =	vld [tilespmem:s15+$0x0];
	[tilespmem:s12+$0xFFFFFFF9 ss:$0x81] =	vst.msk $0xffff, v0;
	s12 =	sadd.s32 $0x8, s12  }
0x33: {  	v1 =	vld [tilespmem:s15+$0x10];
	[tilespmem:s12+$0x0 ss:$0x81] =	vst.msk $0xffff, v5  }
0x34: {  	[tilespmem:s12+$0xFFFFFFFA ss:$0x81] =	vst.msk $0xffff, v6;
	v4 =	vld [tilespmem:s15+$0x20]  }
0x35: {  	v0 =	vld [tilespmem:s15+$0xFFFFFFC0];
	[tilespmem:s12+$0xFFFFFFFB ss:$0x81] =	vst.msk $0xffff, v7;
	s15 =	sadd.s32 $0x80, s15  }
.Ltmp4:
0x36: {  	_ = 	snop;
	(pc) =	sbr.rel .LBB1_4-.Ltmp4, $1  }
0x37: {  	_ =	sdelay $0x3  }
.LBB1_6:
0x38: {  	_ =	sfence.sel $0x180000  }
0x39: {  	s2 =	simm.s32 $0x1;
	[bflag:$0x0] =	sbarrier.arrive $0xFFFF  }
0x3a: {  	s31 =	simm.s32 $0x2;
	[sflag:s2] =	ssyncpa.u1 $0x1  }
0x3b: {  	[sflag:s31] =	ssyncpa.u1 $0x1  }
0x3c: {  	p0 =	sne.s32 s0, $0x0;
	_ =	strace $0x9000004A  }
0x3d: {  	s0 =	sadd.s32 @!p0 $0x100000, s1;
	[bflag:$0x2] =	sbarrier.arrive $0xFFFF  }
0x3e: {  	[sflag:s0] =	ssyncadd.tile.s32 @!p0 $0x1;
	_ =	shalt  }
.Lfunc_end1:
_tile_overlayer_lowered:
.L_overlay_start_2:
0x3f: {  	(tag) =	ssettag $0x2  }
0x40: {  	s0 =	rddreg [dreg:$0x0];
	s2 =	stileid.u32  }
0x41: {  	s1 =	rddreg [dreg:$0x1];
	p0 =	sne.s32 s2, $0x0  }
0x42: {  	s3 =	rddreg [dreg:$0x2];
	[bflag:$0x3] =	sbarrier.arrive $0xFFFF;
	s2 =	simm.s32 @!p0 $0x1C01  }
0x43: {  	[timem:s3], [sflag:s2] =	dma.local @!p0 [hbm:s0], s1  }
0x44: {  	s0 =	simm.s32 @!p0 $0x1  }
0x45: {  	_ =	swait.ge @!p0 [sflag:s0], s1  }
0x46: {  	s1 =	ssub.s32 @!p0 $0x0, s1;
	[sflag:s0] =	ssyncset.done @!p0 $0x0  }
0x47: {  	[sflag:s0] =	ssyncadd.s32 @!p0 s1  }
0x48: {  	[bflag:$0x3] =	sbarrier.arrive $0xFFFF  }
0x49: {  	_ =	shalt  }

</sc_bundles>
